<compile_context>
chip_gen: v7x
topology: tpu7x:2x2x1
jax: 0.10.2.dev20260603
libtpu: 0.0.44.dev20260713+nightly
codegen_flags: <defaults>
</compile_context>

<pallas_src>
import functools

import jax
import jax.numpy as jnp
from jax import lax
from jax.experimental import pallas as pl
from jax.experimental.pallas import tpu as pltpu
from jax.experimental.pallas import tpu_sc as plsc

_NC = 2
_NS = 16
_NW = _NC * _NS
_NBUF = 2
_NSTEPS = 8


def _make_sc_lut(n):
    per_w = n // _NW
    chunk = per_w // _NSTEPS
    ochunk = chunk // 2
    nblk = chunk // 32
    assert per_w * _NW == n and chunk * _NSTEPS == per_w and nblk * 32 == chunk

    mesh = plsc.VectorSubcoreMesh(
        core_axis_name="c", subcore_axis_name="s",
        num_cores=_NC, num_subcores=_NS)

    @functools.partial(
        pl.kernel,
        out_type=jax.ShapeDtypeStruct((n // 2,), jnp.int32),
        mesh=mesh,
        compiler_params=pltpu.CompilerParams(needs_layout_passes=False),
        scratch_types=[
            pltpu.VMEM((256,), jnp.int32),
            [pltpu.VMEM((chunk,), jnp.int32) for _ in range(_NBUF)],
            [pltpu.VMEM((ochunk,), jnp.int32) for _ in range(_NBUF)],
            [pltpu.SemaphoreType.DMA for _ in range(_NBUF)],
            [pltpu.SemaphoreType.DMA for _ in range(_NBUF)],
        ],
    )
    def sc_lut(col_hbm, a_hbm, out_hbm, colv, abufs, obufs, isems, osems):
        wid = lax.axis_index("s") * _NC + lax.axis_index("c")
        base = wid * per_w
        obase = wid * (per_w // 2)

        pltpu.sync_copy(col_hbm, colv)

        def in_copy(g):
            k = g % _NBUF
            return pltpu.make_async_copy(
                a_hbm.at[pl.ds(base + g * chunk, chunk)], abufs[k], isems[k])

        def out_copy(g):
            k = g % _NBUF
            return pltpu.make_async_copy(
                obufs[k], out_hbm.at[pl.ds(obase + g * ochunk, ochunk)],
                osems[k])

        for g in range(_NBUF):
            in_copy(g).start()

        lane2 = lax.iota(jnp.int32, 16) * 2

        for g in range(_NSTEPS):
            k = g % _NBUF
            in_copy(g).wait()
            if g >= _NBUF:
                out_copy(g - _NBUF).wait()

            abuf, obuf = abufs[k], obufs[k]

            @plsc.parallel_loop(0, nblk, step=1, unroll=8)
            def _blk(i):
                idx_e = lane2 + i * 32
                a_e = plsc.load_gather(abuf, [idx_e])
                a_o = plsc.load_gather(abuf, [idx_e + 1])
                g_e = plsc.load_gather(colv, [a_e + 128])
                g_o = plsc.load_gather(colv, [a_o + 128])
                obuf[pl.ds(i * 16, 16)] = (g_e & 0xFFFF) | (g_o << 16)

            out_copy(g).start()
            if g + _NBUF < _NSTEPS:
                in_copy(g + _NBUF).start()

        for g in range(_NSTEPS - _NBUF, _NSTEPS):
            out_copy(g).wait()

    return sc_lut


def kernel(a, b, table):
    n = a.size
    column = jnp.take(table, b + 128, axis=1).astype(jnp.int32)
    a_flat = a.reshape(n)
    packed = _make_sc_lut(n)(column, a_flat)
    return lax.bitcast_convert_type(packed, jnp.int16).reshape(a.shape)

# --- scband reference (transcript-rebuilt; emitter-appended) ---
"""Pipeline reference for scband-int8-lutmultiplier-26560077758903 (READ-ONLY COPY).

The authoritative reference and input builder live on the scoring server;
editing this copy changes nothing except your own understanding.
"""

import jax, jax.numpy as jnp
import numpy as np


def _build_exact_table():
    vals = jnp.arange(-128, 128, dtype=jnp.int16)
    return (vals[:, None] * vals[None, :]).astype(jnp.int16)


def setup_inputs(seed: int = 0) -> dict:
    key = jax.random.key(seed)
    table = _build_exact_table()  # persistent buffer from __init__ (exact int8 x int8 product LUT)
    a = jax.random.randint(jax.random.fold_in(key, 1), (16384, 200), 0, 128, dtype=jnp.int32)  # int8-valued activations
    b = 3  # scalar int8 multiplier
    return {"a": a, "b": b, "table": table}


def reference(a, b, table):
    # lookup_scalar: column-select for multiplier b, then gather per-element by a
    idx_b = b + 128  # python int, in [0, 256)
    column = table[:, idx_b]                       # [256] int16
    a_idx = a.astype(jnp.int32) + 128              # shift int8 values into [0, 256)
    prod = jnp.take(column, a_idx.reshape(-1), axis=0)  # gather, SparseCore-mappable
    return prod.reshape(a.shape)                   # int16, same shape as a

if __name__ == "__main__":
    import jax
    _d = setup_inputs()
    print(jax.jit(kernel)(*tuple(_d.values())))

</pallas_src>

<mosaic_0001>
#map = affine_map<(d0, d1) -> (0)>
module attributes {stable_mosaic.version = 14 : i64} {
  func.func @sc_lut(%arg0: i32, %arg1: i32, %arg2: memref<256xi32, #tpu.memory_space<hbm>>, %arg3: memref<3276800xi32, #tpu.memory_space<hbm>>, %arg4: memref<1638400xi32, #tpu.memory_space<hbm>>, %arg5: memref<256xi32, #tpu.memory_space<vmem>>, %arg6: memref<12800xi32, #tpu.memory_space<vmem>>, %arg7: memref<12800xi32, #tpu.memory_space<vmem>>, %arg8: memref<6400xi32, #tpu.memory_space<vmem>>, %arg9: memref<6400xi32, #tpu.memory_space<vmem>>, %arg10: memref<!tpu.dma_semaphore, #tpu.memory_space<semaphore_mem>>, %arg11: memref<!tpu.dma_semaphore, #tpu.memory_space<semaphore_mem>>, %arg12: memref<!tpu.dma_semaphore, #tpu.memory_space<semaphore_mem>>, %arg13: memref<!tpu.dma_semaphore, #tpu.memory_space<semaphore_mem>>) attributes {dimension_semantics = [#tpu.dimension_semantics<core_parallel>, #tpu.dimension_semantics<subcore_parallel>], iteration_bounds = array<i64: 2, 16>, scalar_prefetch = 0 : i64, scratch_operands = 9 : i64, tpu.core_type = #tpu.core_type<sc_vector_subcore>, window_params = [{transform_indices = #map}, {transform_indices = #map}, {transform_indices = #map}]} {
    %mul3A = arith.constant 2 : i32
    %mul3A_0 = arith.muli %arg1, %mul3A : i32
    %add3A = arith.addi %mul3A_0, %arg0 : i32
    %mul3A_1 = arith.constant 102400 : i32
    %mul3A_2 = arith.muli %add3A, %mul3A_1 : i32
    %mul3A_3 = arith.constant 51200 : i32
    %mul3A_4 = arith.muli %add3A, %mul3A_3 : i32
    "tpu.region"() ({
      %run_scoped3A = tpu.sem_alloc : memref<!tpu.dma_semaphore, #tpu.memory_space<semaphore_mem>>
      tpu.enqueue_dma source(%arg2 : memref<256xi32, #tpu.memory_space<hbm>>) target(%arg5 : memref<256xi32, #tpu.memory_space<vmem>>) target_semaphore(%run_scoped3A : memref<!tpu.dma_semaphore, #tpu.memory_space<semaphore_mem>>)
      tpu.wait_dma2 semaphore(%run_scoped3A : memref<!tpu.dma_semaphore, #tpu.memory_space<semaphore_mem>>) src(%arg2 : memref<256xi32, #tpu.memory_space<hbm>>) dst(%arg5 : memref<256xi32, #tpu.memory_space<vmem>>)
      tpu.yield
    }) : () -> ()
    %add3A_5 = arith.constant 0 : i32
    %add3A_6 = arith.addi %mul3A_2, %add3A_5 : i32
    %dma_start3A = tpu.memref_slice %arg3[%add3A_6] : memref<3276800xi32, #tpu.memory_space<hbm>> -> memref<12800xi32, #tpu.memory_space<hbm>>
    %dma_start3A_7 = tpu.memref_slice %arg3[%add3A_6] : memref<3276800xi32, #tpu.memory_space<hbm>> -> memref<12800xi32, #tpu.memory_space<hbm>>
    tpu.enqueue_dma source(%dma_start3A_7 : memref<12800xi32, #tpu.memory_space<hbm>>) target(%arg6 : memref<12800xi32, #tpu.memory_space<vmem>>) target_semaphore(%arg10 : memref<!tpu.dma_semaphore, #tpu.memory_space<semaphore_mem>>)
    %add3A_8 = arith.constant 12800 : i32
    %add3A_9 = arith.addi %mul3A_2, %add3A_8 : i32
    %dma_start3A_10 = tpu.memref_slice %arg3[%add3A_9] : memref<3276800xi32, #tpu.memory_space<hbm>> -> memref<12800xi32, #tpu.memory_space<hbm>>
    %dma_start3A_11 = tpu.memref_slice %arg3[%add3A_9] : memref<3276800xi32, #tpu.memory_space<hbm>> -> memref<12800xi32, #tpu.memory_space<hbm>>
    tpu.enqueue_dma source(%dma_start3A_11 : memref<12800xi32, #tpu.memory_space<hbm>>) target(%arg7 : memref<12800xi32, #tpu.memory_space<vmem>>) target_semaphore(%arg11 : memref<!tpu.dma_semaphore, #tpu.memory_space<semaphore_mem>>)
    %iota3A = tpu.iota {dimensions = array<i32: 0>} : vector<16xi32>
    %mul3A_12 = arith.constant 2 : i32
    %mul3A_13 = vector.broadcast %mul3A_12 : i32 to vector<16xi32>
    %mul3A_14 = arith.muli %iota3A, %mul3A_13 : vector<16xi32>
    %add3A_15 = arith.constant 0 : i32
    %add3A_16 = arith.addi %mul3A_2, %add3A_15 : i32
    %dma_wait3A = tpu.memref_slice %arg3[%add3A_16] : memref<3276800xi32, #tpu.memory_space<hbm>> -> memref<12800xi32, #tpu.memory_space<hbm>>
    %dma_wait3A_17 = tpu.memref_slice %arg3[%add3A_16] : memref<3276800xi32, #tpu.memory_space<hbm>> -> memref<12800xi32, #tpu.memory_space<hbm>>
    tpu.wait_dma2 semaphore(%arg10 : memref<!tpu.dma_semaphore, #tpu.memory_space<semaphore_mem>>) src(%dma_wait3A_17 : memref<12800xi32, #tpu.memory_space<hbm>>) dst(%arg6 : memref<12800xi32, #tpu.memory_space<vmem>>)
    %parallel_loop3A = arith.constant 0 : i32
    %parallel_loop3A_18 = arith.constant 400 : i32
    %parallel_loop3A_19 = arith.constant 1 : i32
    scf.for %parallel_loop3A_157 = %parallel_loop3A to %parallel_loop3A_18 step %parallel_loop3A_19  : i32 {
      %parallel_loop3A_158 = arith.constant 32 : i32
      %parallel_loop3A_159 = arith.muli %parallel_loop3A_157, %parallel_loop3A_158 : i32
      %parallel_loop3A_160 = vector.broadcast %parallel_loop3A_159 : i32 to vector<16xi32>
      %parallel_loop3A_161 = arith.addi %mul3A_14, %parallel_loop3A_160 : vector<16xi32>
      %parallel_loop3A_162 = tpu.vector_load_idx %arg6[%parallel_loop3A_161] : memref<12800xi32, #tpu.memory_space<vmem>>[vector<16xi32>], vector<16xi32>,
      %parallel_loop3A_163 = arith.constant 1 : i32
      %parallel_loop3A_164 = vector.broadcast %parallel_loop3A_163 : i32 to vector<16xi32>
      %parallel_loop3A_165 = arith.addi %parallel_loop3A_161, %parallel_loop3A_164 : vector<16xi32>
      %parallel_loop3A_166 = tpu.vector_load_idx %arg6[%parallel_loop3A_165] : memref<12800xi32, #tpu.memory_space<vmem>>[vector<16xi32>], vector<16xi32>,
      %parallel_loop3A_167 = arith.constant 128 : i32
      %parallel_loop3A_168 = vector.broadcast %parallel_loop3A_167 : i32 to vector<16xi32>
      %parallel_loop3A_169 = arith.addi %parallel_loop3A_162, %parallel_loop3A_168 : vector<16xi32>
      %parallel_loop3A_170 = tpu.vector_load_idx %arg5[%parallel_loop3A_169] : memref<256xi32, #tpu.memory_space<vmem>>[vector<16xi32>], vector<16xi32>,
      %parallel_loop3A_171 = arith.constant 128 : i32
      %parallel_loop3A_172 = vector.broadcast %parallel_loop3A_171 : i32 to vector<16xi32>
      %parallel_loop3A_173 = arith.addi %parallel_loop3A_166, %parallel_loop3A_172 : vector<16xi32>
      %parallel_loop3A_174 = tpu.vector_load_idx %arg5[%parallel_loop3A_173] : memref<256xi32, #tpu.memory_space<vmem>>[vector<16xi32>], vector<16xi32>,
      %parallel_loop3A_175 = arith.constant 65535 : i32
      %parallel_loop3A_176 = vector.broadcast %parallel_loop3A_175 : i32 to vector<16xi32>
      %parallel_loop3A_177 = arith.andi %parallel_loop3A_170, %parallel_loop3A_176 : vector<16xi32>
      %parallel_loop3A_178 = arith.constant 16 : i32
      %parallel_loop3A_179 = vector.broadcast %parallel_loop3A_178 : i32 to vector<16xi32>
      %parallel_loop3A_180 = arith.shli %parallel_loop3A_174, %parallel_loop3A_179 : vector<16xi32>
      %parallel_loop3A_181 = arith.ori %parallel_loop3A_177, %parallel_loop3A_180 : vector<16xi32>
      %parallel_loop3A_182 = arith.constant 16 : i32
      %parallel_loop3A_183 = arith.muli %parallel_loop3A_157, %parallel_loop3A_182 : i32
      %parallel_loop3A_184 = arith.index_cast %parallel_loop3A_183 : i32 to index
      %parallel_loop3A_185 = tpu.vector_load %arg8[%parallel_loop3A_184] {strides = array<i32>} : memref<6400xi32, #tpu.memory_space<vmem>>, vector<16xi32>,
      tpu.vector_store %arg8[%parallel_loop3A_184], %parallel_loop3A_181 {strides = array<i32>} : memref<6400xi32, #tpu.memory_space<vmem>>, vector<16xi32>,
    } {sc.loop_unroll_factor = 8 : i64, sc.parallel_access}
    %add3A_20 = arith.constant 0 : i32
    %add3A_21 = arith.addi %mul3A_4, %add3A_20 : i32
    %dma_start3A_22 = tpu.memref_slice %arg4[%add3A_21] : memref<1638400xi32, #tpu.memory_space<hbm>> -> memref<6400xi32, #tpu.memory_space<hbm>>
    %dma_start3A_23 = tpu.memref_slice %arg4[%add3A_21] : memref<1638400xi32, #tpu.memory_space<hbm>> -> memref<6400xi32, #tpu.memory_space<hbm>>
    tpu.enqueue_dma source(%arg8 : memref<6400xi32, #tpu.memory_space<vmem>>) target(%dma_start3A_23 : memref<6400xi32, #tpu.memory_space<hbm>>) target_semaphore(%arg12 : memref<!tpu.dma_semaphore, #tpu.memory_space<semaphore_mem>>)
    %add3A_24 = arith.constant 25600 : i32
    %add3A_25 = arith.addi %mul3A_2, %add3A_24 : i32
    %dma_start3A_26 = tpu.memref_slice %arg3[%add3A_25] : memref<3276800xi32, #tpu.memory_space<hbm>> -> memref<12800xi32, #tpu.memory_space<hbm>>
    %dma_start3A_27 = tpu.memref_slice %arg3[%add3A_25] : memref<3276800xi32, #tpu.memory_space<hbm>> -> memref<12800xi32, #tpu.memory_space<hbm>>
    tpu.enqueue_dma source(%dma_start3A_27 : memref<12800xi32, #tpu.memory_space<hbm>>) target(%arg6 : memref<12800xi32, #tpu.memory_space<vmem>>) target_semaphore(%arg10 : memref<!tpu.dma_semaphore, #tpu.memory_space<semaphore_mem>>)
    %add3A_28 = arith.constant 12800 : i32
    %add3A_29 = arith.addi %mul3A_2, %add3A_28 : i32
    %dma_wait3A_30 = tpu.memref_slice %arg3[%add3A_29] : memref<3276800xi32, #tpu.memory_space<hbm>> -> memref<12800xi32, #tpu.memory_space<hbm>>
    %dma_wait3A_31 = tpu.memref_slice %arg3[%add3A_29] : memref<3276800xi32, #tpu.memory_space<hbm>> -> memref<12800xi32, #tpu.memory_space<hbm>>
    tpu.wait_dma2 semaphore(%arg11 : memref<!tpu.dma_semaphore, #tpu.memory_space<semaphore_mem>>) src(%dma_wait3A_31 : memref<12800xi32, #tpu.memory_space<hbm>>) dst(%arg7 : memref<12800xi32, #tpu.memory_space<vmem>>)
    %parallel_loop3A_32 = arith.constant 0 : i32
    %parallel_loop3A_33 = arith.constant 400 : i32
    %parallel_loop3A_34 = arith.constant 1 : i32
    scf.for %parallel_loop3A_157 = %parallel_loop3A_32 to %parallel_loop3A_33 step %parallel_loop3A_34  : i32 {
      %parallel_loop3A_158 = arith.constant 32 : i32
      %parallel_loop3A_159 = arith.muli %parallel_loop3A_157, %parallel_loop3A_158 : i32
      %parallel_loop3A_160 = vector.broadcast %parallel_loop3A_159 : i32 to vector<16xi32>
      %parallel_loop3A_161 = arith.addi %mul3A_14, %parallel_loop3A_160 : vector<16xi32>
      %parallel_loop3A_162 = tpu.vector_load_idx %arg7[%parallel_loop3A_161] : memref<12800xi32, #tpu.memory_space<vmem>>[vector<16xi32>], vector<16xi32>,
      %parallel_loop3A_163 = arith.constant 1 : i32
      %parallel_loop3A_164 = vector.broadcast %parallel_loop3A_163 : i32 to vector<16xi32>
      %parallel_loop3A_165 = arith.addi %parallel_loop3A_161, %parallel_loop3A_164 : vector<16xi32>
      %parallel_loop3A_166 = tpu.vector_load_idx %arg7[%parallel_loop3A_165] : memref<12800xi32, #tpu.memory_space<vmem>>[vector<16xi32>], vector<16xi32>,
      %parallel_loop3A_167 = arith.constant 128 : i32
      %parallel_loop3A_168 = vector.broadcast %parallel_loop3A_167 : i32 to vector<16xi32>
      %parallel_loop3A_169 = arith.addi %parallel_loop3A_162, %parallel_loop3A_168 : vector<16xi32>
      %parallel_loop3A_170 = tpu.vector_load_idx %arg5[%parallel_loop3A_169] : memref<256xi32, #tpu.memory_space<vmem>>[vector<16xi32>], vector<16xi32>,
      %parallel_loop3A_171 = arith.constant 128 : i32
      %parallel_loop3A_172 = vector.broadcast %parallel_loop3A_171 : i32 to vector<16xi32>
      %parallel_loop3A_173 = arith.addi %parallel_loop3A_166, %parallel_loop3A_172 : vector<16xi32>
      %parallel_loop3A_174 = tpu.vector_load_idx %arg5[%parallel_loop3A_173] : memref<256xi32, #tpu.memory_space<vmem>>[vector<16xi32>], vector<16xi32>,
      %parallel_loop3A_175 = arith.constant 65535 : i32
      %parallel_loop3A_176 = vector.broadcast %parallel_loop3A_175 : i32 to vector<16xi32>
      %parallel_loop3A_177 = arith.andi %parallel_loop3A_170, %parallel_loop3A_176 : vector<16xi32>
      %parallel_loop3A_178 = arith.constant 16 : i32
      %parallel_loop3A_179 = vector.broadcast %parallel_loop3A_178 : i32 to vector<16xi32>
      %parallel_loop3A_180 = arith.shli %parallel_loop3A_174, %parallel_loop3A_179 : vector<16xi32>
      %parallel_loop3A_181 = arith.ori %parallel_loop3A_177, %parallel_loop3A_180 : vector<16xi32>
      %parallel_loop3A_182 = arith.constant 16 : i32
      %parallel_loop3A_183 = arith.muli %parallel_loop3A_157, %parallel_loop3A_182 : i32
      %parallel_loop3A_184 = arith.index_cast %parallel_loop3A_183 : i32 to index
      %parallel_loop3A_185 = tpu.vector_load %arg9[%parallel_loop3A_184] {strides = array<i32>} : memref<6400xi32, #tpu.memory_space<vmem>>, vector<16xi32>,
      tpu.vector_store %arg9[%parallel_loop3A_184], %parallel_loop3A_181 {strides = array<i32>} : memref<6400xi32, #tpu.memory_space<vmem>>, vector<16xi32>,
    } {sc.loop_unroll_factor = 8 : i64, sc.parallel_access}
    %add3A_35 = arith.constant 6400 : i32
    %add3A_36 = arith.addi %mul3A_4, %add3A_35 : i32
    %dma_start3A_37 = tpu.memref_slice %arg4[%add3A_36] : memref<1638400xi32, #tpu.memory_space<hbm>> -> memref<6400xi32, #tpu.memory_space<hbm>>
    %dma_start3A_38 = tpu.memref_slice %arg4[%add3A_36] : memref<1638400xi32, #tpu.memory_space<hbm>> -> memref<6400xi32, #tpu.memory_space<hbm>>
    tpu.enqueue_dma source(%arg9 : memref<6400xi32, #tpu.memory_space<vmem>>) target(%dma_start3A_38 : memref<6400xi32, #tpu.memory_space<hbm>>) target_semaphore(%arg13 : memref<!tpu.dma_semaphore, #tpu.memory_space<semaphore_mem>>)
    %add3A_39 = arith.constant 38400 : i32
    %add3A_40 = arith.addi %mul3A_2, %add3A_39 : i32
    %dma_start3A_41 = tpu.memref_slice %arg3[%add3A_40] : memref<3276800xi32, #tpu.memory_space<hbm>> -> memref<12800xi32, #tpu.memory_space<hbm>>
    %dma_start3A_42 = tpu.memref_slice %arg3[%add3A_40] : memref<3276800xi32, #tpu.memory_space<hbm>> -> memref<12800xi32, #tpu.memory_space<hbm>>
    tpu.enqueue_dma source(%dma_start3A_42 : memref<12800xi32, #tpu.memory_space<hbm>>) target(%arg7 : memref<12800xi32, #tpu.memory_space<vmem>>) target_semaphore(%arg11 : memref<!tpu.dma_semaphore, #tpu.memory_space<semaphore_mem>>)
    %add3A_43 = arith.constant 25600 : i32
    %add3A_44 = arith.addi %mul3A_2, %add3A_43 : i32
    %dma_wait3A_45 = tpu.memref_slice %arg3[%add3A_44] : memref<3276800xi32, #tpu.memory_space<hbm>> -> memref<12800xi32, #tpu.memory_space<hbm>>
    %dma_wait3A_46 = tpu.memref_slice %arg3[%add3A_44] : memref<3276800xi32, #tpu.memory_space<hbm>> -> memref<12800xi32, #tpu.memory_space<hbm>>
    tpu.wait_dma2 semaphore(%arg10 : memref<!tpu.dma_semaphore, #tpu.memory_space<semaphore_mem>>) src(%dma_wait3A_46 : memref<12800xi32, #tpu.memory_space<hbm>>) dst(%arg6 : memref<12800xi32, #tpu.memory_space<vmem>>)
    %add3A_47 = arith.constant 0 : i32
    %add3A_48 = arith.addi %mul3A_4, %add3A_47 : i32
    %dma_wait3A_49 = tpu.memref_slice %arg4[%add3A_48] : memref<1638400xi32, #tpu.memory_space<hbm>> -> memref<6400xi32, #tpu.memory_space<hbm>>
    %dma_wait3A_50 = tpu.memref_slice %arg4[%add3A_48] : memref<1638400xi32, #tpu.memory_space<hbm>> -> memref<6400xi32, #tpu.memory_space<hbm>>
    tpu.wait_dma2 semaphore(%arg12 : memref<!tpu.dma_semaphore, #tpu.memory_space<semaphore_mem>>) src(%arg8 : memref<6400xi32, #tpu.memory_space<vmem>>) dst(%dma_wait3A_50 : memref<6400xi32, #tpu.memory_space<hbm>>)
    %parallel_loop3A_51 = arith.constant 0 : i32
    %parallel_loop3A_52 = arith.constant 400 : i32
    %parallel_loop3A_53 = arith.constant 1 : i32
    scf.for %parallel_loop3A_157 = %parallel_loop3A_51 to %parallel_loop3A_52 step %parallel_loop3A_53  : i32 {
      %parallel_loop3A_158 = arith.constant 32 : i32
      %parallel_loop3A_159 = arith.muli %parallel_loop3A_157, %parallel_loop3A_158 : i32
      %parallel_loop3A_160 = vector.broadcast %parallel_loop3A_159 : i32 to vector<16xi32>
      %parallel_loop3A_161 = arith.addi %mul3A_14, %parallel_loop3A_160 : vector<16xi32>
      %parallel_loop3A_162 = tpu.vector_load_idx %arg6[%parallel_loop3A_161] : memref<12800xi32, #tpu.memory_space<vmem>>[vector<16xi32>], vector<16xi32>,
      %parallel_loop3A_163 = arith.constant 1 : i32
      %parallel_loop3A_164 = vector.broadcast %parallel_loop3A_163 : i32 to vector<16xi32>
      %parallel_loop3A_165 = arith.addi %parallel_loop3A_161, %parallel_loop3A_164 : vector<16xi32>
      %parallel_loop3A_166 = tpu.vector_load_idx %arg6[%parallel_loop3A_165] : memref<12800xi32, #tpu.memory_space<vmem>>[vector<16xi32>], vector<16xi32>,
      %parallel_loop3A_167 = arith.constant 128 : i32
      %parallel_loop3A_168 = vector.broadcast %parallel_loop3A_167 : i32 to vector<16xi32>
      %parallel_loop3A_169 = arith.addi %parallel_loop3A_162, %parallel_loop3A_168 : vector<16xi32>
      %parallel_loop3A_170 = tpu.vector_load_idx %arg5[%parallel_loop3A_169] : memref<256xi32, #tpu.memory_space<vmem>>[vector<16xi32>], vector<16xi32>,
      %parallel_loop3A_171 = arith.constant 128 : i32
      %parallel_loop3A_172 = vector.broadcast %parallel_loop3A_171 : i32 to vector<16xi32>
      %parallel_loop3A_173 = arith.addi %parallel_loop3A_166, %parallel_loop3A_172 : vector<16xi32>
      %parallel_loop3A_174 = tpu.vector_load_idx %arg5[%parallel_loop3A_173] : memref<256xi32, #tpu.memory_space<vmem>>[vector<16xi32>], vector<16xi32>,
      %parallel_loop3A_175 = arith.constant 65535 : i32
      %parallel_loop3A_176 = vector.broadcast %parallel_loop3A_175 : i32 to vector<16xi32>
      %parallel_loop3A_177 = arith.andi %parallel_loop3A_170, %parallel_loop3A_176 : vector<16xi32>
      %parallel_loop3A_178 = arith.constant 16 : i32
      %parallel_loop3A_179 = vector.broadcast %parallel_loop3A_178 : i32 to vector<16xi32>
      %parallel_loop3A_180 = arith.shli %parallel_loop3A_174, %parallel_loop3A_179 : vector<16xi32>
      %parallel_loop3A_181 = arith.ori %parallel_loop3A_177, %parallel_loop3A_180 : vector<16xi32>
      %parallel_loop3A_182 = arith.constant 16 : i32
      %parallel_loop3A_183 = arith.muli %parallel_loop3A_157, %parallel_loop3A_182 : i32
      %parallel_loop3A_184 = arith.index_cast %parallel_loop3A_183 : i32 to index
      %parallel_loop3A_185 = tpu.vector_load %arg8[%parallel_loop3A_184] {strides = array<i32>} : memref<6400xi32, #tpu.memory_space<vmem>>, vector<16xi32>,
      tpu.vector_store %arg8[%parallel_loop3A_184], %parallel_loop3A_181 {strides = array<i32>} : memref<6400xi32, #tpu.memory_space<vmem>>, vector<16xi32>,
    } {sc.loop_unroll_factor = 8 : i64, sc.parallel_access}
    %add3A_54 = arith.constant 12800 : i32
    %add3A_55 = arith.addi %mul3A_4, %add3A_54 : i32
    %dma_start3A_56 = tpu.memref_slice %arg4[%add3A_55] : memref<1638400xi32, #tpu.memory_space<hbm>> -> memref<6400xi32, #tpu.memory_space<hbm>>
    %dma_start3A_57 = tpu.memref_slice %arg4[%add3A_55] : memref<1638400xi32, #tpu.memory_space<hbm>> -> memref<6400xi32, #tpu.memory_space<hbm>>
    tpu.enqueue_dma source(%arg8 : memref<6400xi32, #tpu.memory_space<vmem>>) target(%dma_start3A_57 : memref<6400xi32, #tpu.memory_space<hbm>>) target_semaphore(%arg12 : memref<!tpu.dma_semaphore, #tpu.memory_space<semaphore_mem>>)
    %add3A_58 = arith.constant 51200 : i32
    %add3A_59 = arith.addi %mul3A_2, %add3A_58 : i32
    %dma_start3A_60 = tpu.memref_slice %arg3[%add3A_59] : memref<3276800xi32, #tpu.memory_space<hbm>> -> memref<12800xi32, #tpu.memory_space<hbm>>
    %dma_start3A_61 = tpu.memref_slice %arg3[%add3A_59] : memref<3276800xi32, #tpu.memory_space<hbm>> -> memref<12800xi32, #tpu.memory_space<hbm>>
    tpu.enqueue_dma source(%dma_start3A_61 : memref<12800xi32, #tpu.memory_space<hbm>>) target(%arg6 : memref<12800xi32, #tpu.memory_space<vmem>>) target_semaphore(%arg10 : memref<!tpu.dma_semaphore, #tpu.memory_space<semaphore_mem>>)
    %add3A_62 = arith.constant 38400 : i32
    %add3A_63 = arith.addi %mul3A_2, %add3A_62 : i32
    %dma_wait3A_64 = tpu.memref_slice %arg3[%add3A_63] : memref<3276800xi32, #tpu.memory_space<hbm>> -> memref<12800xi32, #tpu.memory_space<hbm>>
    %dma_wait3A_65 = tpu.memref_slice %arg3[%add3A_63] : memref<3276800xi32, #tpu.memory_space<hbm>> -> memref<12800xi32, #tpu.memory_space<hbm>>
    tpu.wait_dma2 semaphore(%arg11 : memref<!tpu.dma_semaphore, #tpu.memory_space<semaphore_mem>>) src(%dma_wait3A_65 : memref<12800xi32, #tpu.memory_space<hbm>>) dst(%arg7 : memref<12800xi32, #tpu.memory_space<vmem>>)
    %add3A_66 = arith.constant 6400 : i32
    %add3A_67 = arith.addi %mul3A_4, %add3A_66 : i32
    %dma_wait3A_68 = tpu.memref_slice %arg4[%add3A_67] : memref<1638400xi32, #tpu.memory_space<hbm>> -> memref<6400xi32, #tpu.memory_space<hbm>>
    %dma_wait3A_69 = tpu.memref_slice %arg4[%add3A_67] : memref<1638400xi32, #tpu.memory_space<hbm>> -> memref<6400xi32, #tpu.memory_space<hbm>>
    tpu.wait_dma2 semaphore(%arg13 : memref<!tpu.dma_semaphore, #tpu.memory_space<semaphore_mem>>) src(%arg9 : memref<6400xi32, #tpu.memory_space<vmem>>) dst(%dma_wait3A_69 : memref<6400xi32, #tpu.memory_space<hbm>>)
    %parallel_loop3A_70 = arith.constant 0 : i32
    %parallel_loop3A_71 = arith.constant 400 : i32
    %parallel_loop3A_72 = arith.constant 1 : i32
    scf.for %parallel_loop3A_157 = %parallel_loop3A_70 to %parallel_loop3A_71 step %parallel_loop3A_72  : i32 {
      %parallel_loop3A_158 = arith.constant 32 : i32
      %parallel_loop3A_159 = arith.muli %parallel_loop3A_157, %parallel_loop3A_158 : i32
      %parallel_loop3A_160 = vector.broadcast %parallel_loop3A_159 : i32 to vector<16xi32>
      %parallel_loop3A_161 = arith.addi %mul3A_14, %parallel_loop3A_160 : vector<16xi32>
      %parallel_loop3A_162 = tpu.vector_load_idx %arg7[%parallel_loop3A_161] : memref<12800xi32, #tpu.memory_space<vmem>>[vector<16xi32>], vector<16xi32>,
      %parallel_loop3A_163 = arith.constant 1 : i32
      %parallel_loop3A_164 = vector.broadcast %parallel_loop3A_163 : i32 to vector<16xi32>
      %parallel_loop3A_165 = arith.addi %parallel_loop3A_161, %parallel_loop3A_164 : vector<16xi32>
      %parallel_loop3A_166 = tpu.vector_load_idx %arg7[%parallel_loop3A_165] : memref<12800xi32, #tpu.memory_space<vmem>>[vector<16xi32>], vector<16xi32>,
      %parallel_loop3A_167 = arith.constant 128 : i32
      %parallel_loop3A_168 = vector.broadcast %parallel_loop3A_167 : i32 to vector<16xi32>
      %parallel_loop3A_169 = arith.addi %parallel_loop3A_162, %parallel_loop3A_168 : vector<16xi32>
      %parallel_loop3A_170 = tpu.vector_load_idx %arg5[%parallel_loop3A_169] : memref<256xi32, #tpu.memory_space<vmem>>[vector<16xi32>], vector<16xi32>,
      %parallel_loop3A_171 = arith.constant 128 : i32
      %parallel_loop3A_172 = vector.broadcast %parallel_loop3A_171 : i32 to vector<16xi32>
      %parallel_loop3A_173 = arith.addi %parallel_loop3A_166, %parallel_loop3A_172 : vector<16xi32>
      %parallel_loop3A_174 = tpu.vector_load_idx %arg5[%parallel_loop3A_173] : memref<256xi32, #tpu.memory_space<vmem>>[vector<16xi32>], vector<16xi32>,
      %parallel_loop3A_175 = arith.constant 65535 : i32
      %parallel_loop3A_176 = vector.broadcast %parallel_loop3A_175 : i32 to vector<16xi32>
      %parallel_loop3A_177 = arith.andi %parallel_loop3A_170, %parallel_loop3A_176 : vector<16xi32>
      %parallel_loop3A_178 = arith.constant 16 : i32
      %parallel_loop3A_179 = vector.broadcast %parallel_loop3A_178 : i32 to vector<16xi32>
      %parallel_loop3A_180 = arith.shli %parallel_loop3A_174, %parallel_loop3A_179 : vector<16xi32>
      %parallel_loop3A_181 = arith.ori %parallel_loop3A_177, %parallel_loop3A_180 : vector<16xi32>
      %parallel_loop3A_182 = arith.constant 16 : i32
      %parallel_loop3A_183 = arith.muli %parallel_loop3A_157, %parallel_loop3A_182 : i32
      %parallel_loop3A_184 = arith.index_cast %parallel_loop3A_183 : i32 to index
      %parallel_loop3A_185 = tpu.vector_load %arg9[%parallel_loop3A_184] {strides = array<i32>} : memref<6400xi32, #tpu.memory_space<vmem>>, vector<16xi32>,
      tpu.vector_store %arg9[%parallel_loop3A_184], %parallel_loop3A_181 {strides = array<i32>} : memref<6400xi32, #tpu.memory_space<vmem>>, vector<16xi32>,
    } {sc.loop_unroll_factor = 8 : i64, sc.parallel_access}
    %add3A_73 = arith.constant 19200 : i32
    %add3A_74 = arith.addi %mul3A_4, %add3A_73 : i32
    %dma_start3A_75 = tpu.memref_slice %arg4[%add3A_74] : memref<1638400xi32, #tpu.memory_space<hbm>> -> memref<6400xi32, #tpu.memory_space<hbm>>
    %dma_start3A_76 = tpu.memref_slice %arg4[%add3A_74] : memref<1638400xi32, #tpu.memory_space<hbm>> -> memref<6400xi32, #tpu.memory_space<hbm>>
    tpu.enqueue_dma source(%arg9 : memref<6400xi32, #tpu.memory_space<vmem>>) target(%dma_start3A_76 : memref<6400xi32, #tpu.memory_space<hbm>>) target_semaphore(%arg13 : memref<!tpu.dma_semaphore, #tpu.memory_space<semaphore_mem>>)
    %add3A_77 = arith.constant 64000 : i32
    %add3A_78 = arith.addi %mul3A_2, %add3A_77 : i32
    %dma_start3A_79 = tpu.memref_slice %arg3[%add3A_78] : memref<3276800xi32, #tpu.memory_space<hbm>> -> memref<12800xi32, #tpu.memory_space<hbm>>
    %dma_start3A_80 = tpu.memref_slice %arg3[%add3A_78] : memref<3276800xi32, #tpu.memory_space<hbm>> -> memref<12800xi32, #tpu.memory_space<hbm>>
    tpu.enqueue_dma source(%dma_start3A_80 : memref<12800xi32, #tpu.memory_space<hbm>>) target(%arg7 : memref<12800xi32, #tpu.memory_space<vmem>>) target_semaphore(%arg11 : memref<!tpu.dma_semaphore, #tpu.memory_space<semaphore_mem>>)
    %add3A_81 = arith.constant 51200 : i32
    %add3A_82 = arith.addi %mul3A_2, %add3A_81 : i32
    %dma_wait3A_83 = tpu.memref_slice %arg3[%add3A_82] : memref<3276800xi32, #tpu.memory_space<hbm>> -> memref<12800xi32, #tpu.memory_space<hbm>>
    %dma_wait3A_84 = tpu.memref_slice %arg3[%add3A_82] : memref<3276800xi32, #tpu.memory_space<hbm>> -> memref<12800xi32, #tpu.memory_space<hbm>>
    tpu.wait_dma2 semaphore(%arg10 : memref<!tpu.dma_semaphore, #tpu.memory_space<semaphore_mem>>) src(%dma_wait3A_84 : memref<12800xi32, #tpu.memory_space<hbm>>) dst(%arg6 : memref<12800xi32, #tpu.memory_space<vmem>>)
    %add3A_85 = arith.constant 12800 : i32
    %add3A_86 = arith.addi %mul3A_4, %add3A_85 : i32
    %dma_wait3A_87 = tpu.memref_slice %arg4[%add3A_86] : memref<1638400xi32, #tpu.memory_space<hbm>> -> memref<6400xi32, #tpu.memory_space<hbm>>
    %dma_wait3A_88 = tpu.memref_slice %arg4[%add3A_86] : memref<1638400xi32, #tpu.memory_space<hbm>> -> memref<6400xi32, #tpu.memory_space<hbm>>
    tpu.wait_dma2 semaphore(%arg12 : memref<!tpu.dma_semaphore, #tpu.memory_space<semaphore_mem>>) src(%arg8 : memref<6400xi32, #tpu.memory_space<vmem>>) dst(%dma_wait3A_88 : memref<6400xi32, #tpu.memory_space<hbm>>)
    %parallel_loop3A_89 = arith.constant 0 : i32
    %parallel_loop3A_90 = arith.constant 400 : i32
    %parallel_loop3A_91 = arith.constant 1 : i32
    scf.for %parallel_loop3A_157 = %parallel_loop3A_89 to %parallel_loop3A_90 step %parallel_loop3A_91  : i32 {
      %parallel_loop3A_158 = arith.constant 32 : i32
      %parallel_loop3A_159 = arith.muli %parallel_loop3A_157, %parallel_loop3A_158 : i32
      %parallel_loop3A_160 = vector.broadcast %parallel_loop3A_159 : i32 to vector<16xi32>
      %parallel_loop3A_161 = arith.addi %mul3A_14, %parallel_loop3A_160 : vector<16xi32>
      %parallel_loop3A_162 = tpu.vector_load_idx %arg6[%parallel_loop3A_161] : memref<12800xi32, #tpu.memory_space<vmem>>[vector<16xi32>], vector<16xi32>,
      %parallel_loop3A_163 = arith.constant 1 : i32
      %parallel_loop3A_164 = vector.broadcast %parallel_loop3A_163 : i32 to vector<16xi32>
      %parallel_loop3A_165 = arith.addi %parallel_loop3A_161, %parallel_loop3A_164 : vector<16xi32>
      %parallel_loop3A_166 = tpu.vector_load_idx %arg6[%parallel_loop3A_165] : memref<12800xi32, #tpu.memory_space<vmem>>[vector<16xi32>], vector<16xi32>,
      %parallel_loop3A_167 = arith.constant 128 : i32
      %parallel_loop3A_168 = vector.broadcast %parallel_loop3A_167 : i32 to vector<16xi32>
      %parallel_loop3A_169 = arith.addi %parallel_loop3A_162, %parallel_loop3A_168 : vector<16xi32>
      %parallel_loop3A_170 = tpu.vector_load_idx %arg5[%parallel_loop3A_169] : memref<256xi32, #tpu.memory_space<vmem>>[vector<16xi32>], vector<16xi32>,
      %parallel_loop3A_171 = arith.constant 128 : i32
      %parallel_loop3A_172 = vector.broadcast %parallel_loop3A_171 : i32 to vector<16xi32>
      %parallel_loop3A_173 = arith.addi %parallel_loop3A_166, %parallel_loop3A_172 : vector<16xi32>
      %parallel_loop3A_174 = tpu.vector_load_idx %arg5[%parallel_loop3A_173] : memref<256xi32, #tpu.memory_space<vmem>>[vector<16xi32>], vector<16xi32>,
      %parallel_loop3A_175 = arith.constant 65535 : i32
      %parallel_loop3A_176 = vector.broadcast %parallel_loop3A_175 : i32 to vector<16xi32>
      %parallel_loop3A_177 = arith.andi %parallel_loop3A_170, %parallel_loop3A_176 : vector<16xi32>
      %parallel_loop3A_178 = arith.constant 16 : i32
      %parallel_loop3A_179 = vector.broadcast %parallel_loop3A_178 : i32 to vector<16xi32>
      %parallel_loop3A_180 = arith.shli %parallel_loop3A_174, %parallel_loop3A_179 : vector<16xi32>
      %parallel_loop3A_181 = arith.ori %parallel_loop3A_177, %parallel_loop3A_180 : vector<16xi32>
      %parallel_loop3A_182 = arith.constant 16 : i32
      %parallel_loop3A_183 = arith.muli %parallel_loop3A_157, %parallel_loop3A_182 : i32
      %parallel_loop3A_184 = arith.index_cast %parallel_loop3A_183 : i32 to index
      %parallel_loop3A_185 = tpu.vector_load %arg8[%parallel_loop3A_184] {strides = array<i32>} : memref<6400xi32, #tpu.memory_space<vmem>>, vector<16xi32>,
      tpu.vector_store %arg8[%parallel_loop3A_184], %parallel_loop3A_181 {strides = array<i32>} : memref<6400xi32, #tpu.memory_space<vmem>>, vector<16xi32>,
    } {sc.loop_unroll_factor = 8 : i64, sc.parallel_access}
    %add3A_92 = arith.constant 25600 : i32
    %add3A_93 = arith.addi %mul3A_4, %add3A_92 : i32
    %dma_start3A_94 = tpu.memref_slice %arg4[%add3A_93] : memref<1638400xi32, #tpu.memory_space<hbm>> -> memref<6400xi32, #tpu.memory_space<hbm>>
    %dma_start3A_95 = tpu.memref_slice %arg4[%add3A_93] : memref<1638400xi32, #tpu.memory_space<hbm>> -> memref<6400xi32, #tpu.memory_space<hbm>>
    tpu.enqueue_dma source(%arg8 : memref<6400xi32, #tpu.memory_space<vmem>>) target(%dma_start3A_95 : memref<6400xi32, #tpu.memory_space<hbm>>) target_semaphore(%arg12 : memref<!tpu.dma_semaphore, #tpu.memory_space<semaphore_mem>>)
    %add3A_96 = arith.constant 76800 : i32
    %add3A_97 = arith.addi %mul3A_2, %add3A_96 : i32
    %dma_start3A_98 = tpu.memref_slice %arg3[%add3A_97] : memref<3276800xi32, #tpu.memory_space<hbm>> -> memref<12800xi32, #tpu.memory_space<hbm>>
    %dma_start3A_99 = tpu.memref_slice %arg3[%add3A_97] : memref<3276800xi32, #tpu.memory_space<hbm>> -> memref<12800xi32, #tpu.memory_space<hbm>>
    tpu.enqueue_dma source(%dma_start3A_99 : memref<12800xi32, #tpu.memory_space<hbm>>) target(%arg6 : memref<12800xi32, #tpu.memory_space<vmem>>) target_semaphore(%arg10 : memref<!tpu.dma_semaphore, #tpu.memory_space<semaphore_mem>>)
    %add3A_100 = arith.constant 64000 : i32
    %add3A_101 = arith.addi %mul3A_2, %add3A_100 : i32
    %dma_wait3A_102 = tpu.memref_slice %arg3[%add3A_101] : memref<3276800xi32, #tpu.memory_space<hbm>> -> memref<12800xi32, #tpu.memory_space<hbm>>
    %dma_wait3A_103 = tpu.memref_slice %arg3[%add3A_101] : memref<3276800xi32, #tpu.memory_space<hbm>> -> memref<12800xi32, #tpu.memory_space<hbm>>
    tpu.wait_dma2 semaphore(%arg11 : memref<!tpu.dma_semaphore, #tpu.memory_space<semaphore_mem>>) src(%dma_wait3A_103 : memref<12800xi32, #tpu.memory_space<hbm>>) dst(%arg7 : memref<12800xi32, #tpu.memory_space<vmem>>)
    %add3A_104 = arith.constant 19200 : i32
    %add3A_105 = arith.addi %mul3A_4, %add3A_104 : i32
    %dma_wait3A_106 = tpu.memref_slice %arg4[%add3A_105] : memref<1638400xi32, #tpu.memory_space<hbm>> -> memref<6400xi32, #tpu.memory_space<hbm>>
    %dma_wait3A_107 = tpu.memref_slice %arg4[%add3A_105] : memref<1638400xi32, #tpu.memory_space<hbm>> -> memref<6400xi32, #tpu.memory_space<hbm>>
    tpu.wait_dma2 semaphore(%arg13 : memref<!tpu.dma_semaphore, #tpu.memory_space<semaphore_mem>>) src(%arg9 : memref<6400xi32, #tpu.memory_space<vmem>>) dst(%dma_wait3A_107 : memref<6400xi32, #tpu.memory_space<hbm>>)
    %parallel_loop3A_108 = arith.constant 0 : i32
    %parallel_loop3A_109 = arith.constant 400 : i32
    %parallel_loop3A_110 = arith.constant 1 : i32
    scf.for %parallel_loop3A_157 = %parallel_loop3A_108 to %parallel_loop3A_109 step %parallel_loop3A_110  : i32 {
      %parallel_loop3A_158 = arith.constant 32 : i32
      %parallel_loop3A_159 = arith.muli %parallel_loop3A_157, %parallel_loop3A_158 : i32
      %parallel_loop3A_160 = vector.broadcast %parallel_loop3A_159 : i32 to vector<16xi32>
      %parallel_loop3A_161 = arith.addi %mul3A_14, %parallel_loop3A_160 : vector<16xi32>
      %parallel_loop3A_162 = tpu.vector_load_idx %arg7[%parallel_loop3A_161] : memref<12800xi32, #tpu.memory_space<vmem>>[vector<16xi32>], vector<16xi32>,
      %parallel_loop3A_163 = arith.constant 1 : i32
      %parallel_loop3A_164 = vector.broadcast %parallel_loop3A_163 : i32 to vector<16xi32>
      %parallel_loop3A_165 = arith.addi %parallel_loop3A_161, %parallel_loop3A_164 : vector<16xi32>
      %parallel_loop3A_166 = tpu.vector_load_idx %arg7[%parallel_loop3A_165] : memref<12800xi32, #tpu.memory_space<vmem>>[vector<16xi32>], vector<16xi32>,
      %parallel_loop3A_167 = arith.constant 128 : i32
      %parallel_loop3A_168 = vector.broadcast %parallel_loop3A_167 : i32 to vector<16xi32>
      %parallel_loop3A_169 = arith.addi %parallel_loop3A_162, %parallel_loop3A_168 : vector<16xi32>
      %parallel_loop3A_170 = tpu.vector_load_idx %arg5[%parallel_loop3A_169] : memref<256xi32, #tpu.memory_space<vmem>>[vector<16xi32>], vector<16xi32>,
      %parallel_loop3A_171 = arith.constant 128 : i32
      %parallel_loop3A_172 = vector.broadcast %parallel_loop3A_171 : i32 to vector<16xi32>
      %parallel_loop3A_173 = arith.addi %parallel_loop3A_166, %parallel_loop3A_172 : vector<16xi32>
      %parallel_loop3A_174 = tpu.vector_load_idx %arg5[%parallel_loop3A_173] : memref<256xi32, #tpu.memory_space<vmem>>[vector<16xi32>], vector<16xi32>,
      %parallel_loop3A_175 = arith.constant 65535 : i32
      %parallel_loop3A_176 = vector.broadcast %parallel_loop3A_175 : i32 to vector<16xi32>
      %parallel_loop3A_177 = arith.andi %parallel_loop3A_170, %parallel_loop3A_176 : vector<16xi32>
      %parallel_loop3A_178 = arith.constant 16 : i32
      %parallel_loop3A_179 = vector.broadcast %parallel_loop3A_178 : i32 to vector<16xi32>
      %parallel_loop3A_180 = arith.shli %parallel_loop3A_174, %parallel_loop3A_179 : vector<16xi32>
      %parallel_loop3A_181 = arith.ori %parallel_loop3A_177, %parallel_loop3A_180 : vector<16xi32>
      %parallel_loop3A_182 = arith.constant 16 : i32
      %parallel_loop3A_183 = arith.muli %parallel_loop3A_157, %parallel_loop3A_182 : i32
      %parallel_loop3A_184 = arith.index_cast %parallel_loop3A_183 : i32 to index
      %parallel_loop3A_185 = tpu.vector_load %arg9[%parallel_loop3A_184] {strides = array<i32>} : memref<6400xi32, #tpu.memory_space<vmem>>, vector<16xi32>,
      tpu.vector_store %arg9[%parallel_loop3A_184], %parallel_loop3A_181 {strides = array<i32>} : memref<6400xi32, #tpu.memory_space<vmem>>, vector<16xi32>,
    } {sc.loop_unroll_factor = 8 : i64, sc.parallel_access}
    %add3A_111 = arith.constant 32000 : i32
    %add3A_112 = arith.addi %mul3A_4, %add3A_111 : i32
    %dma_start3A_113 = tpu.memref_slice %arg4[%add3A_112] : memref<1638400xi32, #tpu.memory_space<hbm>> -> memref<6400xi32, #tpu.memory_space<hbm>>
    %dma_start3A_114 = tpu.memref_slice %arg4[%add3A_112] : memref<1638400xi32, #tpu.memory_space<hbm>> -> memref<6400xi32, #tpu.memory_space<hbm>>
    tpu.enqueue_dma source(%arg9 : memref<6400xi32, #tpu.memory_space<vmem>>) target(%dma_start3A_114 : memref<6400xi32, #tpu.memory_space<hbm>>) target_semaphore(%arg13 : memref<!tpu.dma_semaphore, #tpu.memory_space<semaphore_mem>>)
    %add3A_115 = arith.constant 89600 : i32
    %add3A_116 = arith.addi %mul3A_2, %add3A_115 : i32
    %dma_start3A_117 = tpu.memref_slice %arg3[%add3A_116] : memref<3276800xi32, #tpu.memory_space<hbm>> -> memref<12800xi32, #tpu.memory_space<hbm>>
    %dma_start3A_118 = tpu.memref_slice %arg3[%add3A_116] : memref<3276800xi32, #tpu.memory_space<hbm>> -> memref<12800xi32, #tpu.memory_space<hbm>>
    tpu.enqueue_dma source(%dma_start3A_118 : memref<12800xi32, #tpu.memory_space<hbm>>) target(%arg7 : memref<12800xi32, #tpu.memory_space<vmem>>) target_semaphore(%arg11 : memref<!tpu.dma_semaphore, #tpu.memory_space<semaphore_mem>>)
    %add3A_119 = arith.constant 76800 : i32
    %add3A_120 = arith.addi %mul3A_2, %add3A_119 : i32
    %dma_wait3A_121 = tpu.memref_slice %arg3[%add3A_120] : memref<3276800xi32, #tpu.memory_space<hbm>> -> memref<12800xi32, #tpu.memory_space<hbm>>
    %dma_wait3A_122 = tpu.memref_slice %arg3[%add3A_120] : memref<3276800xi32, #tpu.memory_space<hbm>> -> memref<12800xi32, #tpu.memory_space<hbm>>
    tpu.wait_dma2 semaphore(%arg10 : memref<!tpu.dma_semaphore, #tpu.memory_space<semaphore_mem>>) src(%dma_wait3A_122 : memref<12800xi32, #tpu.memory_space<hbm>>) dst(%arg6 : memref<12800xi32, #tpu.memory_space<vmem>>)
    %add3A_123 = arith.constant 25600 : i32
    %add3A_124 = arith.addi %mul3A_4, %add3A_123 : i32
    %dma_wait3A_125 = tpu.memref_slice %arg4[%add3A_124] : memref<1638400xi32, #tpu.memory_space<hbm>> -> memref<6400xi32, #tpu.memory_space<hbm>>
    %dma_wait3A_126 = tpu.memref_slice %arg4[%add3A_124] : memref<1638400xi32, #tpu.memory_space<hbm>> -> memref<6400xi32, #tpu.memory_space<hbm>>
    tpu.wait_dma2 semaphore(%arg12 : memref<!tpu.dma_semaphore, #tpu.memory_space<semaphore_mem>>) src(%arg8 : memref<6400xi32, #tpu.memory_space<vmem>>) dst(%dma_wait3A_126 : memref<6400xi32, #tpu.memory_space<hbm>>)
    %parallel_loop3A_127 = arith.constant 0 : i32
    %parallel_loop3A_128 = arith.constant 400 : i32
    %parallel_loop3A_129 = arith.constant 1 : i32
    scf.for %parallel_loop3A_157 = %parallel_loop3A_127 to %parallel_loop3A_128 step %parallel_loop3A_129  : i32 {
      %parallel_loop3A_158 = arith.constant 32 : i32
      %parallel_loop3A_159 = arith.muli %parallel_loop3A_157, %parallel_loop3A_158 : i32
      %parallel_loop3A_160 = vector.broadcast %parallel_loop3A_159 : i32 to vector<16xi32>
      %parallel_loop3A_161 = arith.addi %mul3A_14, %parallel_loop3A_160 : vector<16xi32>
      %parallel_loop3A_162 = tpu.vector_load_idx %arg6[%parallel_loop3A_161] : memref<12800xi32, #tpu.memory_space<vmem>>[vector<16xi32>], vector<16xi32>,
      %parallel_loop3A_163 = arith.constant 1 : i32
      %parallel_loop3A_164 = vector.broadcast %parallel_loop3A_163 : i32 to vector<16xi32>
      %parallel_loop3A_165 = arith.addi %parallel_loop3A_161, %parallel_loop3A_164 : vector<16xi32>
      %parallel_loop3A_166 = tpu.vector_load_idx %arg6[%parallel_loop3A_165] : memref<12800xi32, #tpu.memory_space<vmem>>[vector<16xi32>], vector<16xi32>,
      %parallel_loop3A_167 = arith.constant 128 : i32
      %parallel_loop3A_168 = vector.broadcast %parallel_loop3A_167 : i32 to vector<16xi32>
      %parallel_loop3A_169 = arith.addi %parallel_loop3A_162, %parallel_loop3A_168 : vector<16xi32>
      %parallel_loop3A_170 = tpu.vector_load_idx %arg5[%parallel_loop3A_169] : memref<256xi32, #tpu.memory_space<vmem>>[vector<16xi32>], vector<16xi32>,
      %parallel_loop3A_171 = arith.constant 128 : i32
      %parallel_loop3A_172 = vector.broadcast %parallel_loop3A_171 : i32 to vector<16xi32>
      %parallel_loop3A_173 = arith.addi %parallel_loop3A_166, %parallel_loop3A_172 : vector<16xi32>
      %parallel_loop3A_174 = tpu.vector_load_idx %arg5[%parallel_loop3A_173] : memref<256xi32, #tpu.memory_space<vmem>>[vector<16xi32>], vector<16xi32>,
      %parallel_loop3A_175 = arith.constant 65535 : i32
      %parallel_loop3A_176 = vector.broadcast %parallel_loop3A_175 : i32 to vector<16xi32>
      %parallel_loop3A_177 = arith.andi %parallel_loop3A_170, %parallel_loop3A_176 : vector<16xi32>
      %parallel_loop3A_178 = arith.constant 16 : i32
      %parallel_loop3A_179 = vector.broadcast %parallel_loop3A_178 : i32 to vector<16xi32>
      %parallel_loop3A_180 = arith.shli %parallel_loop3A_174, %parallel_loop3A_179 : vector<16xi32>
      %parallel_loop3A_181 = arith.ori %parallel_loop3A_177, %parallel_loop3A_180 : vector<16xi32>
      %parallel_loop3A_182 = arith.constant 16 : i32
      %parallel_loop3A_183 = arith.muli %parallel_loop3A_157, %parallel_loop3A_182 : i32
      %parallel_loop3A_184 = arith.index_cast %parallel_loop3A_183 : i32 to index
      %parallel_loop3A_185 = tpu.vector_load %arg8[%parallel_loop3A_184] {strides = array<i32>} : memref<6400xi32, #tpu.memory_space<vmem>>, vector<16xi32>,
      tpu.vector_store %arg8[%parallel_loop3A_184], %parallel_loop3A_181 {strides = array<i32>} : memref<6400xi32, #tpu.memory_space<vmem>>, vector<16xi32>,
    } {sc.loop_unroll_factor = 8 : i64, sc.parallel_access}
    %add3A_130 = arith.constant 38400 : i32
    %add3A_131 = arith.addi %mul3A_4, %add3A_130 : i32
    %dma_start3A_132 = tpu.memref_slice %arg4[%add3A_131] : memref<1638400xi32, #tpu.memory_space<hbm>> -> memref<6400xi32, #tpu.memory_space<hbm>>
    %dma_start3A_133 = tpu.memref_slice %arg4[%add3A_131] : memref<1638400xi32, #tpu.memory_space<hbm>> -> memref<6400xi32, #tpu.memory_space<hbm>>
    tpu.enqueue_dma source(%arg8 : memref<6400xi32, #tpu.memory_space<vmem>>) target(%dma_start3A_133 : memref<6400xi32, #tpu.memory_space<hbm>>) target_semaphore(%arg12 : memref<!tpu.dma_semaphore, #tpu.memory_space<semaphore_mem>>)
    %add3A_134 = arith.constant 89600 : i32
    %add3A_135 = arith.addi %mul3A_2, %add3A_134 : i32
    %dma_wait3A_136 = tpu.memref_slice %arg3[%add3A_135] : memref<3276800xi32, #tpu.memory_space<hbm>> -> memref<12800xi32, #tpu.memory_space<hbm>>
    %dma_wait3A_137 = tpu.memref_slice %arg3[%add3A_135] : memref<3276800xi32, #tpu.memory_space<hbm>> -> memref<12800xi32, #tpu.memory_space<hbm>>
    tpu.wait_dma2 semaphore(%arg11 : memref<!tpu.dma_semaphore, #tpu.memory_space<semaphore_mem>>) src(%dma_wait3A_137 : memref<12800xi32, #tpu.memory_space<hbm>>) dst(%arg7 : memref<12800xi32, #tpu.memory_space<vmem>>)
    %add3A_138 = arith.constant 32000 : i32
    %add3A_139 = arith.addi %mul3A_4, %add3A_138 : i32
    %dma_wait3A_140 = tpu.memref_slice %arg4[%add3A_139] : memref<1638400xi32, #tpu.memory_space<hbm>> -> memref<6400xi32, #tpu.memory_space<hbm>>
    %dma_wait3A_141 = tpu.memref_slice %arg4[%add3A_139] : memref<1638400xi32, #tpu.memory_space<hbm>> -> memref<6400xi32, #tpu.memory_space<hbm>>
    tpu.wait_dma2 semaphore(%arg13 : memref<!tpu.dma_semaphore, #tpu.memory_space<semaphore_mem>>) src(%arg9 : memref<6400xi32, #tpu.memory_space<vmem>>) dst(%dma_wait3A_141 : memref<6400xi32, #tpu.memory_space<hbm>>)
    %parallel_loop3A_142 = arith.constant 0 : i32
    %parallel_loop3A_143 = arith.constant 400 : i32
    %parallel_loop3A_144 = arith.constant 1 : i32
    scf.for %parallel_loop3A_157 = %parallel_loop3A_142 to %parallel_loop3A_143 step %parallel_loop3A_144  : i32 {
      %parallel_loop3A_158 = arith.constant 32 : i32
      %parallel_loop3A_159 = arith.muli %parallel_loop3A_157, %parallel_loop3A_158 : i32
      %parallel_loop3A_160 = vector.broadcast %parallel_loop3A_159 : i32 to vector<16xi32>
      %parallel_loop3A_161 = arith.addi %mul3A_14, %parallel_loop3A_160 : vector<16xi32>
      %parallel_loop3A_162 = tpu.vector_load_idx %arg7[%parallel_loop3A_161] : memref<12800xi32, #tpu.memory_space<vmem>>[vector<16xi32>], vector<16xi32>,
      %parallel_loop3A_163 = arith.constant 1 : i32
      %parallel_loop3A_164 = vector.broadcast %parallel_loop3A_163 : i32 to vector<16xi32>
      %parallel_loop3A_165 = arith.addi %parallel_loop3A_161, %parallel_loop3A_164 : vector<16xi32>
      %parallel_loop3A_166 = tpu.vector_load_idx %arg7[%parallel_loop3A_165] : memref<12800xi32, #tpu.memory_space<vmem>>[vector<16xi32>], vector<16xi32>,
      %parallel_loop3A_167 = arith.constant 128 : i32
      %parallel_loop3A_168 = vector.broadcast %parallel_loop3A_167 : i32 to vector<16xi32>
      %parallel_loop3A_169 = arith.addi %parallel_loop3A_162, %parallel_loop3A_168 : vector<16xi32>
      %parallel_loop3A_170 = tpu.vector_load_idx %arg5[%parallel_loop3A_169] : memref<256xi32, #tpu.memory_space<vmem>>[vector<16xi32>], vector<16xi32>,
      %parallel_loop3A_171 = arith.constant 128 : i32
      %parallel_loop3A_172 = vector.broadcast %parallel_loop3A_171 : i32 to vector<16xi32>
      %parallel_loop3A_173 = arith.addi %parallel_loop3A_166, %parallel_loop3A_172 : vector<16xi32>
      %parallel_loop3A_174 = tpu.vector_load_idx %arg5[%parallel_loop3A_173] : memref<256xi32, #tpu.memory_space<vmem>>[vector<16xi32>], vector<16xi32>,
      %parallel_loop3A_175 = arith.constant 65535 : i32
      %parallel_loop3A_176 = vector.broadcast %parallel_loop3A_175 : i32 to vector<16xi32>
      %parallel_loop3A_177 = arith.andi %parallel_loop3A_170, %parallel_loop3A_176 : vector<16xi32>
      %parallel_loop3A_178 = arith.constant 16 : i32
      %parallel_loop3A_179 = vector.broadcast %parallel_loop3A_178 : i32 to vector<16xi32>
      %parallel_loop3A_180 = arith.shli %parallel_loop3A_174, %parallel_loop3A_179 : vector<16xi32>
      %parallel_loop3A_181 = arith.ori %parallel_loop3A_177, %parallel_loop3A_180 : vector<16xi32>
      %parallel_loop3A_182 = arith.constant 16 : i32
      %parallel_loop3A_183 = arith.muli %parallel_loop3A_157, %parallel_loop3A_182 : i32
      %parallel_loop3A_184 = arith.index_cast %parallel_loop3A_183 : i32 to index
      %parallel_loop3A_185 = tpu.vector_load %arg9[%parallel_loop3A_184] {strides = array<i32>} : memref<6400xi32, #tpu.memory_space<vmem>>, vector<16xi32>,
      tpu.vector_store %arg9[%parallel_loop3A_184], %parallel_loop3A_181 {strides = array<i32>} : memref<6400xi32, #tpu.memory_space<vmem>>, vector<16xi32>,
    } {sc.loop_unroll_factor = 8 : i64, sc.parallel_access}
    %add3A_145 = arith.constant 44800 : i32
    %add3A_146 = arith.addi %mul3A_4, %add3A_145 : i32
    %dma_start3A_147 = tpu.memref_slice %arg4[%add3A_146] : memref<1638400xi32, #tpu.memory_space<hbm>> -> memref<6400xi32, #tpu.memory_space<hbm>>
    %dma_start3A_148 = tpu.memref_slice %arg4[%add3A_146] : memref<1638400xi32, #tpu.memory_space<hbm>> -> memref<6400xi32, #tpu.memory_space<hbm>>
    tpu.enqueue_dma source(%arg9 : memref<6400xi32, #tpu.memory_space<vmem>>) target(%dma_start3A_148 : memref<6400xi32, #tpu.memory_space<hbm>>) target_semaphore(%arg13 : memref<!tpu.dma_semaphore, #tpu.memory_space<semaphore_mem>>)
    %add3A_149 = arith.constant 38400 : i32
    %add3A_150 = arith.addi %mul3A_4, %add3A_149 : i32
    %dma_wait3A_151 = tpu.memref_slice %arg4[%add3A_150] : memref<1638400xi32, #tpu.memory_space<hbm>> -> memref<6400xi32, #tpu.memory_space<hbm>>
    %dma_wait3A_152 = tpu.memref_slice %arg4[%add3A_150] : memref<1638400xi32, #tpu.memory_space<hbm>> -> memref<6400xi32, #tpu.memory_space<hbm>>
    tpu.wait_dma2 semaphore(%arg12 : memref<!tpu.dma_semaphore, #tpu.memory_space<semaphore_mem>>) src(%arg8 : memref<6400xi32, #tpu.memory_space<vmem>>) dst(%dma_wait3A_152 : memref<6400xi32, #tpu.memory_space<hbm>>)
    %add3A_153 = arith.constant 44800 : i32
    %add3A_154 = arith.addi %mul3A_4, %add3A_153 : i32
    %dma_wait3A_155 = tpu.memref_slice %arg4[%add3A_154] : memref<1638400xi32, #tpu.memory_space<hbm>> -> memref<6400xi32, #tpu.memory_space<hbm>>
    %dma_wait3A_156 = tpu.memref_slice %arg4[%add3A_154] : memref<1638400xi32, #tpu.memory_space<hbm>> -> memref<6400xi32, #tpu.memory_space<hbm>>
    tpu.wait_dma2 semaphore(%arg13 : memref<!tpu.dma_semaphore, #tpu.memory_space<semaphore_mem>>) src(%arg9 : memref<6400xi32, #tpu.memory_space<vmem>>) dst(%dma_wait3A_156 : memref<6400xi32, #tpu.memory_space<hbm>>)
    return
  }
}

</mosaic_0001>

<sc_bundles>
// kernel: kernel.3.cloned.1.call-start
scs
__scs_entry_jumppad:
0x0: {  	(pc) =	sbr.rel $0x88, $3  }
0x1: {  	(tag) =	ssettag $0x0;
	lr =	simm.s32 $0x1  }
0x2: {  	[smem:$0x3F9E] =	sst lr;
	_ =	strace $0xD0000000  }
0x3: {  	_ = 	snop  }
0x4: {  	_ = 	snop  }
0x5: {  	_ = 	snop  }
0x6: {  	_ = 	snop  }
0x7: {  	_ = 	snop  }
__scs_overlays_trampoline_lowered:
0x8: {  	[smem:$0x3FAD] =	sst s0  }
0x9: {  	[smem:$0x3FAE] =	sst s1  }
0xa: {  	[smem:$0x3FAF] =	sst s2  }
0xb: {  	[smem:$0x3FB0] =	sst s3  }
0xc: {  	[smem:$0x3FB1] =	sst s4  }
0xd: {  	[smem:$0x3FB2] =	sst s5  }
0xe: {  	[smem:$0x3FB3] =	sst s6  }
0xf: {  	[smem:$0x3FB4] =	sst s7  }
0x10: {  	[smem:$0x3FB5] =	sst s8  }
0x11: {  	[smem:$0x3FB6] =	sst s9;
	s0 =	simm.s32 @!p0 $0x0  }
0x12: {  	s1 =	sld [smem:$0x3F9C];
	s0 =	simm.s32 @p0 $0x1  }
0x13: {  	[smem:$0x3FB7] =	sst s0;
	s0 =	simm.s32 @!p1 $0x0  }
0x14: {  	s2 =	sld [smem:$0x3F9B];
	s0 =	simm.s32 @p1 $0x1  }
0x15: {  	[smem:$0x3FB8] =	sst s0;
	s0 =	simm.s32 @!p2 $0x0  }
0x16: {  	s3 =	sld [smem:$0x3FDB];
	s0 =	simm.s32 @p2 $0x1  }
0x17: {  	s4 =	simm.s32 $0x1BF5;
	[smem:$0x3FBA] =	sst s0  }
0x18: {  	s0 =	sld [smem:$0x3F9D];
	_ =	swait.ge [sflag:s4], $0x0  }
0x19: {  	s7 =	sld [smem:$0x3F9E]  }
0x1a: {  	s8 =	sadd.s32 $0xFFFFE003, lr  }
0x1b: {  	s9 =	sadd.s32 $0xFFFFFEF7, lr;
	s5 =	simm.s32 $0xFFFFFFFF;
	p2 =	slt.u32 s8, $0xFFFFF086  }
0x1c: {  	p1 =	slt.u32 s9, $0xF7A;
	s5 =	simm.s32 @!p2 $0x0  }
0x1d: {  	s5 =	simm.s32 @p1 $0x1;
	p0 =	seq.s32 s7, s2  }
0x1e: {  	s7 =	smul.u32 @!p0 $0xF7A, s2;
	p2 =	seq.s32 @!p0 s5, $0x0  }
0x1f: {  	s9 =	smul.u32 $0xF7A, s1;
	s8 =	simm.s32 @!p0 $0x1BF5;
	p2 =	por !p2, p0  }
0x20: {  	[sflag:s8] =	ssyncset.s32 @!p0 $0xFFFFF086;
	s6 =	sadd.s32 @!p0 s3, s7;
	s7 =	simm.s32 @!p0 $0x108  }
0x21: {  	s3 =	sadd.s32 s3, s9;
	s6 =	sadd.s32 @!p0 $0x88, s6;
	s7 =	simm.s32 @p2 $0x1082  }
0x22: {  	[simem:s7], [sflag:s8] =	dma.local @!p0 [hbm:s6], $0xF7A  }
0x23: {  	s9 =	sor.u32 $0xD0000000, s2;
	s6 =	simm.s32 $0x108;
	_ =	swait.ge @!p0 [sflag:s8], $0x0  }
0x24: {  	s3 =	sadd.s32 $0x88, s3;
	s6 =	simm.s32 @!p1 $0x1082;
	[sflag:s4] =	ssyncset.s32 $0xFFFFF086  }
0x25: {  	[simem:s6], [sflag:s4] =	dma.local [hbm:s3], $0xF7A  }
0x26: {  	[smem:$0x3F9E] =	sst s1;
	(tag) =	ssettag s2;
	_ =	strace s9  }
0x27: {  	s1 =	sld [smem:$0x3FAE]  }
0x28: {  	s2 =	sld [smem:$0x3FAF]  }
0x29: {  	s4 =	sld [smem:$0x3FB1]  }
0x2a: {  	p0 =	seq.s32 s5, $0x0;
	s5 =	sld [smem:$0x3FB2]  }
0x2b: {  	s6 =	sld [smem:$0x3FB3]  }
0x2c: {  	s7 =	sld [smem:$0x3FB4]  }
0x2d: {  	s3 =	simm.s32 $0x108;
	s8 =	sld [smem:$0x3FB5]  }
0x2e: {  	s3 =	simm.s32 @!p0 $0x1082;
	s9 =	sld [smem:$0x3FB6]  }
0x2f: {  	lr =	sadd.s32 s0, s3;
	s0 =	sld [smem:$0x3FAD]  }
0x30: {  	s3 =	sld [smem:$0x3FB0]  }
0x31: {  	[smem:$0x3FB9] =	sst s10  }
0x32: {  	s10 =	sld [smem:$0x3FB7];
	_ =	sdelay $0x3  }
0x33: {  	p0 =	seq.s32 s10, $0x1;
	s10 =	sld [smem:$0x3FB9];
	_ =	sdelay $0x3  }
0x34: {  	[smem:$0x3FB9] =	sst s10  }
0x35: {  	s10 =	sld [smem:$0x3FB8];
	_ =	sdelay $0x3  }
0x36: {  	p1 =	seq.s32 s10, $0x1;
	s10 =	sld [smem:$0x3FB9];
	_ =	sdelay $0x3  }
0x37: {  	[smem:$0x3FB9] =	sst s10  }
0x38: {  	s10 =	sld [smem:$0x3FBA]  }
0x39: {  	_ = 	snop;
	(pc) =	sbr.ind lr, $3  }
0x3a: {  	_ = 	snop  }
0x3b: {  	_ = 	snop  }
0x3c: {  	p2 =	seq.s32 s10, $0x1;
	s10 =	sld [smem:$0x3FB9]  }
0x3d: {  	_ =	shalt  }
0x3e: {  	_ =	shalt  }
0x3f: {  	_ =	shalt  }
0x40: {  	_ =	shalt  }
0x41: {  	_ =	shalt  }
0x42: {  	_ =	shalt  }
0x43: {  	_ =	shalt  }
0x44: {  	_ =	shalt  }
0x45: {  	_ =	shalt  }
0x46: {  	_ =	shalt  }
0x47: {  	_ =	shalt  }
0x48: {  	_ =	shalt  }
0x49: {  	_ =	shalt  }
0x4a: {  	_ =	shalt  }
0x4b: {  	_ =	shalt  }
0x4c: {  	_ =	shalt  }
0x4d: {  	_ =	shalt  }
0x4e: {  	_ =	shalt  }
0x4f: {  	_ =	shalt  }
0x50: {  	_ =	shalt  }
0x51: {  	_ =	shalt  }
0x52: {  	_ =	shalt  }
0x53: {  	_ =	shalt  }
0x54: {  	_ =	shalt  }
0x55: {  	_ =	shalt  }
0x56: {  	_ =	shalt  }
0x57: {  	_ =	shalt  }
0x58: {  	_ =	shalt  }
0x59: {  	_ =	shalt  }
0x5a: {  	_ =	shalt  }
0x5b: {  	_ =	shalt  }
0x5c: {  	_ =	shalt  }
0x5d: {  	_ =	shalt  }
0x5e: {  	_ =	shalt  }
0x5f: {  	_ =	shalt  }
0x60: {  	_ =	shalt  }
0x61: {  	_ =	shalt  }
0x62: {  	_ =	shalt  }
0x63: {  	_ =	shalt  }
0x64: {  	_ =	shalt  }
0x65: {  	_ =	shalt  }
0x66: {  	_ =	shalt  }
0x67: {  	_ =	shalt  }
0x68: {  	_ =	shalt  }
0x69: {  	_ =	shalt  }
0x6a: {  	_ =	shalt  }
0x6b: {  	_ =	shalt  }
0x6c: {  	_ =	shalt  }
0x6d: {  	_ =	shalt  }
0x6e: {  	_ =	shalt  }
0x6f: {  	_ =	shalt  }
0x70: {  	_ =	shalt  }
0x71: {  	_ =	shalt  }
0x72: {  	_ =	shalt  }
0x73: {  	_ =	shalt  }
0x74: {  	_ =	shalt  }
0x75: {  	_ =	shalt  }
0x76: {  	_ =	shalt  }
0x77: {  	_ =	shalt  }
0x78: {  	_ =	shalt  }
0x79: {  	_ =	shalt  }
0x7a: {  	_ =	shalt  }
0x7b: {  	_ =	shalt  }
0x7c: {  	_ =	shalt  }
0x7d: {  	_ =	shalt  }
0x7e: {  	_ =	shalt  }
0x7f: {  	_ =	shalt  }
0x80: {  	_ =	shalt  }
0x81: {  	_ =	shalt  }
0x82: {  	_ =	shalt  }
0x83: {  	_ =	shalt  }
0x84: {  	_ =	shalt  }
0x85: {  	_ =	shalt  }
0x86: {  	_ =	shalt  }
0x87: {  	_ =	shalt  }
.Lfunc_end0:
.L_simem_size_0:
called_computation_lowered:
.L_overlay_start_0:
0x88: {  	s2 =	sld [smem:$0x3FD9]  }
0x89: {  	s3 =	sld [smem:$0x3FFE];
	_ =	sdelay $0x1  }
0x8a: {  	s1 =	srdreg.scid  }
0x8b: {  	s0 =	sand.u32 $0x1, s1  }
0x8c: {  	s17 =	sshll.u32 s0, $0xA;
	s2 =	sadd.s32 s3, s2  }
0x8d: {  	s2 =	sadd.s32 s2, s17  }
0x8e: {  	[smem:$0x3FC5] =	sst s2  }
0x8f: {  	_ = 	snop  }
0x90: {  	s2 =	sld [smem:$0x3FD0];
	(tm) =	ssettm $0x1  }
0x91: {  	s18 =	sld [smem:$0x3FFB];
	_ =	sdelay $0x3  }
0x92: {  	_ =	strace s18  }
0x93: {  	s3 =	sld [smem:$0x3FFC];
	_ =	sdelay $0x3  }
0x94: {  	_ =	strace s3  }
0x95: {  	s3 =	sld [smem:$0x3FFD];
	_ =	sdelay $0x3  }
0x96: {  	_ =	strace s3  }
0x97: {  	_ =	strace $0x8FFFFFFF  }
0x98: {  	s19 =	sld [smem:$0x3FDB];
	_ =	sdelay $0x1  }
0x99: {  	s4 =	simm.s32 $_scs_section_size  }
0x9a: {  	s5 =	simm.s32 $_size__tile_overlayer_lowered;
	s6 =	simm.s32 $_tile_overlayer_lowered  }
0x9b: {  	s22 =	simm.s32 $0x1BFF;
	s21 =	sshll.u32 s6, $0x1;
	s3 =	sadd.s32 s4, s19  }
0x9c: {  	s7 =	simm.s32 $0x0;
	s20 =	sshll.u32 s5, $0x1;
	s5 =	sadd.s32 s21, s3  }
0x9d: {  	[timem:s7], [sflag:s22] =	dma.local [hbm:s5], s20  }
0x9e: {  	_ =	swait.ge [sflag:s22], s20  }
0x9f: {  	s4 =	ssub.s32 $0x0, s20;
	[sflag:s22] =	ssyncset.done $0x0  }
0xa0: {  	[sflag:s22] =	ssyncadd.s32 s4;
	_ =	sdelay $0x1  }
0xa1: {  	s23 =	simm.s32 $0x1B8B  }
0xa2: {  	_ =	swait.ge [sflag:s23], $0x1  }
0xa3: {  	[sflag:s23] =	ssyncset.done $0x0  }
0xa4: {  	s25 =	simm.s32 $0x1B8E;
	s24 =	sld [smem:$0x3FFE];
	[sflag:s23] =	ssyncadd.s32 $0xFFFFFFFF  }
0xa5: {  	s26 =	simm.s32 $execute0_lowered;
	[smem:$0x3FD2] =	sst s25  }
0xa6: {  	s5 =	sshll.u32 s26, $0x1;
	_ =	strace $0x80000046;
	[dreg:$0x1] =	wrdreg $0xFFFFFFFF  }
0xa7: {  	s28 =	simm.s32 $_size_execute0_lowered;
	s3 =	sadd.s32 s3, s5;
	[dreg:$0x0] =	wrdreg $0x0  }
0xa8: {  	s5 =	sshll.u32 s28, $0x1;
	[dreg:$0x2] =	wrdreg s3  }
0xa9: {  	[dreg:$0x3] =	wrdreg s5  }
0xaa: {  	[dreg:$0x4] =	wrdreg $0xC0  }
0xab: {  	_ =	task [dreg:s7], $0x5FFFF  }
0xac: {  	[dreg:$0x1] =	wrdreg $0xFFFFFFFF  }
0xad: {  	[dreg:$0x0] =	wrdreg $0x60  }
0xae: {  	[dreg:$0x2] =	wrdreg s24  }
0xaf: {  	[dreg:$0x3] =	wrdreg s2  }
0xb0: {  	[dreg:$0x4] =	wrdreg $0x9  }
0xb1: {  	_ =	task.clear_ibuf [dreg:s7], $0x5FFFF;
	_ =	strace $0x90000046  }
0xb2: {  	s29 =	simm.s32 $0x9;
	_ =	strace $0x80000048  }
0xb3: {  	_ =	swait.ge [sflag:s29], $0x1  }
0xb4: {  	[sflag:s29] =	ssyncadd.s32 $0xFFFFFFFF  }
0xb5: {  	_ =	strace $0x90000048  }
0xb6: {  	_ =	sfence  }
0xb7: {  	s30 =	sld [smem:$0x0];
	_ =	sdelay $0x2  }
0xb8: {  	s31 =	sshll.u32 s1, $0xD;
	s1 =	sshrl.u32 s1, $0x2  }
0xb9: {  	s3 =	sand.u32 $0x4000, s31;
	s1 =	sadd.s32 s1, s30  }
0xba: {  	s0 =	sor.u32 s3, s0;
	s1 =	sshll.u32 s1, $0x11  }
0xbb: {  	s0 =	sor.u32 s1, s0  }
0xbc: {  	s0 =	sadd.s32 $0x8F2B, s0  }
0xbd: {  	[sflag:s0] =	ssyncadd.remote.s32 $0x1  }
0xbe: {  	_ =	sfence.sel $0xFFFF  }
0xbf: {  	[dreg:$0x0] =	wrdreg $0xFFFFFFFF;
	(pc) =	sbr.abs _section_cstart, $3  }
0xc0: {  	[dreg:$0x1] =	wrdreg $0xFFFFFFFF  }
0xc1: {  	_ =	task.clear_ibuf [dreg:s7], $0x2FFFF;
	_ =	strace $0x9FFFFFFF  }
0xc2: {  	(tm) =	ssettm $0x7FFFFFFF  }
0xc3: {  	_ =	shalt  }
tec
execute0_lowered:
.L_overlay_start_1:
0x0: {  	(tag) =	ssettag $0x1  }
0x1: {  	s0 =	rddreg [dreg:$0x0];
	s1 =	srdreg.scid  }
0x2: {  	s2 =	stileid.u32;
	s3 =	rddreg [dreg:$0x1]  }
0x3: {  	s28 =	simm.s32 $0x7E00;
	s29 =	simm.s32 $0x3;
	s30 =	simm.s32 $0x4  }
0x4: {  	s31 =	simm.s32 $0x0;
	s1 =	sand.u32 $0x1, s1;
	s4 =	sshll.u32 s2, $0x1  }
0x5: {  	s2 =	simm.s32 $0x0;
	s6 =	sadd.s32 $0x64200, s0;
	s4 =	sor.u32 s1, s4  }
0x6: {  	[smem:$0x7FF] =	sst s2;
	s1 =	ssub.s32 $0x2, s1;
	s5 =	smul.u32 $0x19000, s4  }
0x7: {  	_ =	strace $0x80000047;
	s4 =	smul.u32 $0xC800, s4;
	s20 =	sshrl.u32 s1, $0x1  }
0x8: {  	[dreg:$0x3] =	wrdreg s6;
	s1 =	ssub.s32 s1, s20;
	s5 =	sshrl.u32 s5, $0x3  }
0x9: {  	s21 =	sshrl.u32 s4, $0x3;
	s20 =	smax.u32 s1, $0x1;
	s0 =	sadd.s32 s5, s0  }
0xa: {  	s6 =	sadd.s32 s3, s21;
	s21 =	simm.s32 $0x5;
	s22 =	sadd.s32 $0x200, s0  }
0xb: {  	s23 =	sadd.s32 $0x840, s0;
	s24 =	sadd.s32 $0xE80, s0;
	s25 =	sadd.s32 $0x320, s6  }
0xc: {  	s26 =	sadd.s32 $0x14C0, s0;
	s10 =	sadd.s32 $0x640, s6;
	s11 =	sadd.s32 $0x1B00, s0  }
0xd: {  	s12 =	sadd.s32 $0x960, s6;
	s13 =	sadd.s32 $0x2140, s0;
	[dreg:$0x4] =	wrdreg s22  }
0xe: {  	v0 =	vlaneseq.u32;
	s14 =	sadd.s32 $0xC80, s6;
	s15 =	sadd.s32 $0x2780, s0;
	[dreg:$0x5] =	wrdreg s23  }
0xf: {  	v0 =	vmul.u32 $0x2, v0;
	s16 =	sadd.s32 $0xFA0, s6;
	s17 =	sadd.s32 $0x2DC0, s0;
	[dreg:$0x6] =	wrdreg s24  }
0x10: {  	s18 =	sadd.s32 $0x12C0, s6;
	s19 =	sadd.s32 $0x15E0, s6;
	[dreg:$0x7] =	wrdreg s25  }
0x11: {  	v1 =	vor.u32 $0x1, v0;
	[dreg:$0x8] =	wrdreg s26;
	s22 =	simm.s32 $0x100;
	s23 =	simm.s32 $0x3300  }
0x12: {  	v2 =	vor.u32 $0x21, v0;
	v3 =	vor.u32 $0x41, v0;
	v4 =	vor.u32 $0x61, v0;
	s24 =	simm.s32 $0x1;
	s25 =	simm.s32 $0x6500;
	s26 =	simm.s32 $0x2  }
.LBB2_1:
0x13: {  	s0 =	rddreg [dreg:$0x3]  }
0x14: {  	[tilespmem:s2], [sflag:$0x5] =	stream.linear.gather [hbm4b:s0+s2], $0x100, $0x38;
	[tilespmem:$0x9700] =	vst v63  }
0x15: {  	_ =	swait.ge [sflag:s21], $0x100  }
0x16: {  	[sflag:s21] =	ssyncset.done $0x0  }
0x17: {  	s8 =	rddreg [dreg:$0x4];
	[sflag:s21] =	ssyncadd.s32 $0xFFFFFF00  }
0x18: {  	[tilespmem:s22], [sflag:$0x1] =	stream.linear.gather [hbm4b:s8+s2], $0x3200, $0x38;
	[tilespmem:$0x9700] =	vst v63  }
0x19: {  	v5 =	vor.u32 s2, v0;
	s9 =	simm.s32 $0xE0;
	s1 =	rddreg [dreg:$0x5]  }
0x1a: {  	v6 =	vor.u32 s9, v0;
	[tilespmem:s23], [sflag:$0x2] =	stream.linear.gather [hbm4b:s1+s2], $0x3200, $0x38;
	[tilespmem:$0x9700] =	vst v63  }
0x1b: {  	s3 =	simm.s32 $0x20;
	v7 =	vor.u32 s9, v4;
	_ =	swait.ge [sflag:s24], $0x3200  }
0x1c: {  	v8 =	vor.u32 s3, v0;
	[sflag:s24] =	ssyncset.done $0x0  }
0x1d: {  	s4 =	simm.s32 $0x40;
	v9 =	vor.u32 s3, v2;
	[sflag:s24] =	ssyncadd.s32 $0xFFFFCE00  }
0x1e: {  	v10 =	vor.u32 s4, v0;
	v5 =	vld.idx.msk [tilespmem:v5+s22+$0x0], $0xffff  }
0x1f: {  	s5 =	simm.s32 $0x60;
	v11 =	vor.u32 s4, v3;
	v6 =	vld.idx.msk [tilespmem:v6+s22+$0x0], $0xffff  }
0x20: {  	v12 =	vor.u32 s5, v0;
	v7 =	vld.idx.msk [tilespmem:v7+s22+$0x0], $0xffff  }
0x21: {  	s7 =	simm.s32 $0x80;
	v13 =	vor.u32 s5, v4;
	v8 =	vld.idx.msk [tilespmem:v8+s22+$0x0], $0xffff  }
0x22: {  	v14 =	vor.u32 s7, v0;
	v9 =	vld.idx.msk [tilespmem:v9+s22+$0x0], $0xffff  }
0x23: {  	v15 =	vor.u32 s7, v1;
	s8 =	simm.s32 $0xA0;
	v10 =	vld.idx.msk [tilespmem:v10+s22+$0x0], $0xffff  }
0x24: {  	v16 =	vor.u32 s8, v0;
	v11 =	vld.idx.msk [tilespmem:v11+s22+$0x0], $0xffff  }
0x25: {  	v12 =	vld.idx.msk [tilespmem:v12+s22+$0x0], $0xffff;
	v6 =	vadd.s32 $0x80, v6  }
0x26: {  	v13 =	vld.idx.msk [tilespmem:v13+s22+$0x0], $0xffff;
	v7 =	vadd.s32 $0x80, v7  }
0x27: {  	s9 =	simm.s32 $0xC0;
	v17 =	vor.u32 s8, v2;
	v14 =	vld.idx.msk [tilespmem:v14+s22+$0x0], $0xffff  }
0x28: {  	v18 =	vor.u32 s9, v0;
	v15 =	vld.idx.msk [tilespmem:v15+s22+$0x0], $0xffff  }
0x29: {  	v19 =	vor.u32 s9, v3;
	v16 =	vld.idx.msk [tilespmem:v16+s22+$0x0], $0xffff  }
0x2a: {  	v20 =	vor.u32 s2, v1;
	v21 =	vld.idx.msk [tilespmem:v6+s2+$0x0], $0xffff  }
0x2b: {  	v10 =	vadd.s32 $0x80, v10;
	v7 =	vld.idx.msk [tilespmem:v7+s2+$0x0], $0xffff  }
0x2c: {  	v6 =	vadd.s32 $0x80, v8;
	v8 =	vadd.s32 $0x80, v9;
	v9 =	vld.idx.msk [tilespmem:v17+s22+$0x0], $0xffff  }
0x2d: {  	v17 =	vld.idx.msk [tilespmem:v18+s22+$0x0], $0xffff  }
0x2e: {  	v11 =	vadd.s32 $0x80, v11;
	v18 =	vld.idx.msk [tilespmem:v19+s22+$0x0], $0xffff  }
0x2f: {  	v12 =	vadd.s32 $0x80, v12;
	v19 =	vld.idx.msk [tilespmem:v20+s22+$0x0], $0xffff  }
0x30: {  	v63 =	vadd.s32 $0x80, v13;
	v10 =	vld.idx.msk [tilespmem:v10+s2+$0x0], $0xffff  }
0x31: {  	v14 =	vadd.s32 $0x80, v14;
	v22 =	vld.idx.msk [tilespmem:v6+s2+$0x0], $0xffff  }
0x32: {  	v24 =	vadd.s32 $0x80, v15;
	v23 =	vld.idx.msk [tilespmem:v8+s2+$0x0], $0xffff  }
0x33: {  	v25 =	vadd.s32 $0x80, v16;
	v13 =	vld.idx.msk [tilespmem:v11+s2+$0x0], $0xffff  }
0x34: {  	v6 =	vld.idx.msk [tilespmem:v12+s2+$0x0], $0xffff;
	v16 =	vadd.s32 $0x80, v9  }
0x35: {  	v8 =	vand.u32 $0xFFFF, v21;
	v11 =	vshll.u32 v7, $0x10;
	v7 =	vld.idx.msk [tilespmem:v63+s2+$0x0], $0xffff;
	v15 =	vadd.s32 $0x80, v17  }
0x36: {  	v11 =	vor.u32 v8, v11;
	v8 =	vld.idx.msk [tilespmem:v14+s2+$0x0], $0xffff;
	v14 =	vadd.s32 $0x80, v18  }
0x37: {  	s1 =	simm.s32 $0x6540;
	v5 =	vadd.s32 $0x80, v5;
	v9 =	vld.idx.msk [tilespmem:v24+s2+$0x0], $0xffff;
	v17 =	vand.u32 $0xFFFF, v22;
	v18 =	vshll.u32 v23, $0x10  }
0x38: {  	s0 =	simm.s32 $0x0;
	s3 =	simm.s32 $0x100;
	v12 =	vadd.s32 $0x80, v19;
	v10 =	vand.u32 $0xFFFF, v10;
	[tilespmem:s1+$0x30] =	vst v11;
	v11 =	vld.idx.msk [tilespmem:v25+s2+$0x0], $0xffff;
	v17 =	vor.u32 v17, v18  }
.LBB2_2:
0x39: {  	v18 =	vor.u32 s3, v0;
	v19 =	vor.u32 s3, v1;
	s4 =	sadd.s32 $0x20, s3;
	s5 =	sadd.s32 $0x40, s3;
	s7 =	sadd.s32 $0xE0, s3;
	[tilespmem:s1+$0xFFFFFFD0] =	vst v17;
	v13 =	vshll.u32 v13, $0x10;
	v16 =	vld.idx.msk [tilespmem:v16+s2+$0x0], $0xffff  }
0x3a: {  	s8 =	sadd.s32 $0x80, s3;
	s0 =	sadd.s32 $0x8, s0;
	v17 =	vor.u32 s4, v0;
	v20 =	vor.u32 s4, v2;
	s4 =	sadd.s32 $0x60, s3;
	v21 =	vor.u32 s7, v0;
	v15 =	vld.idx.msk [tilespmem:v15+s2+$0x0], $0xffff  }
0x3b: {  	s9 =	sadd.s32 $0xC0, s3;
	v22 =	vor.u32 s5, v0;
	v23 =	vor.u32 s5, v3;
	s5 =	sadd.s32 $0xA0, s3;
	v24 =	vor.u32 s7, v4;
	p0 =	slt.u32 s0, $0x188;
	v14 =	vld.idx.msk [tilespmem:v14+s2+$0x0], $0xffff  }
0x3c: {  	v27 =	vor.u32 s8, v0;
	v25 =	vor.u32 s4, v0;
	v26 =	vor.u32 s4, v4;
	v5 =	vld.idx.msk [tilespmem:v5+s2+$0x0], $0xffff  }
0x3d: {  	v28 =	vor.u32 s8, v1;
	v29 =	vor.u32 s5, v0;
	v30 =	vor.u32 s5, v2;
	v12 =	vld.idx.msk [tilespmem:v12+s2+$0x0], $0xffff  }
0x3e: {  	v6 =	vand.u32 $0xFFFF, v6;
	v31 =	vor.u32 s9, v0;
	v32 =	vor.u32 s9, v3;
	v18 =	vld.idx.msk [tilespmem:v18+s22+$0x0], $0xffff  }
0x3f: {  	v7 =	vshll.u32 v7, $0x10;
	v8 =	vand.u32 $0xFFFF, v8;
	v9 =	vshll.u32 v9, $0x10;
	v21 =	vld.idx.msk [tilespmem:v21+s22+$0x0], $0xffff  }
0x40: {  	v11 =	vand.u32 $0xFFFF, v11;
	v16 =	vshll.u32 v16, $0x10;
	v15 =	vand.u32 $0xFFFF, v15;
	v24 =	vld.idx.msk [tilespmem:v24+s22+$0x0], $0xffff  }
0x41: {  	v10 =	vor.u32 v10, v13;
	v6 =	vor.u32 v6, v7;
	v7 =	vshll.u32 v14, $0x10;
	v17 =	vld.idx.msk [tilespmem:v17+s22+$0x0], $0xffff  }
0x42: {  	v8 =	vor.u32 v8, v9;
	v9 =	vor.u32 v11, v16;
	v14 =	vand.u32 $0xFFFF, v5;
	v13 =	vld.idx.msk [tilespmem:v20+s22+$0x0], $0xffff;
	[tilespmem:s1+$0xFFFFFFE0] =	vst v10  }
0x43: {  	v11 =	vshll.u32 v12, $0x10;
	v10 =	vld.idx.msk [tilespmem:v22+s22+$0x0], $0xffff;
	[tilespmem:s1+$0xFFFFFFF0] =	vst v6;
	v6 =	vor.u32 v15, v7  }
0x44: {  	v5 =	vadd.s32 $0x80, v18;
	v11 =	vor.u32 v14, v11;
	v7 =	vld.idx.msk [tilespmem:v23+s22+$0x0], $0xffff;
	[tilespmem:s1+$0x0] =	vst v8  }
0x45: {  	v12 =	vadd.s32 $0x80, v21;
	v8 =	vld.idx.msk [tilespmem:v25+s22+$0x0], $0xffff;
	[tilespmem:s1+$0x10] =	vst v9  }
0x46: {  	v14 =	vadd.s32 $0x80, v24;
	v9 =	vld.idx.msk [tilespmem:v26+s22+$0x0], $0xffff;
	[tilespmem:s1+$0x20] =	vst v6  }
0x47: {  	v6 =	vadd.s32 $0x80, v17;
	v15 =	vld.idx.msk [tilespmem:v27+s22+$0x0], $0xffff;
	[tilespmem:s1+$0xFFFFFFC0] =	vst v11  }
0x48: {  	v11 =	vadd.s32 $0x80, v13;
	v13 =	vld.idx.msk [tilespmem:v28+s22+$0x0], $0xffff  }
0x49: {  	v10 =	vadd.s32 $0x80, v10;
	v16 =	vld.idx.msk [tilespmem:v29+s22+$0x0], $0xffff  }
0x4a: {  	v7 =	vadd.s32 $0x80, v7;
	v12 =	vld.idx.msk [tilespmem:v12+s2+$0x0], $0xffff  }
0x4b: {  	v8 =	vadd.s32 $0x80, v8;
	v14 =	vld.idx.msk [tilespmem:v14+s2+$0x0], $0xffff  }
0x4c: {  	v9 =	vadd.s32 $0x80, v9;
	v17 =	vld.idx.msk [tilespmem:v30+s22+$0x0], $0xffff  }
0x4d: {  	v18 =	vadd.s32 $0x80, v15;
	v15 =	vld.idx.msk [tilespmem:v31+s22+$0x0], $0xffff  }
0x4e: {  	v20 =	vadd.s32 $0x80, v13;
	v21 =	vld.idx.msk [tilespmem:v32+s22+$0x0], $0xffff  }
0x4f: {  	v22 =	vadd.s32 $0x80, v16;
	v19 =	vld.idx.msk [tilespmem:v19+s22+$0x0], $0xffff  }
0x50: {  	v23 =	vld.idx.msk [tilespmem:v6+s2+$0x0], $0xffff  }
0x51: {  	v6 =	vand.u32 $0xFFFF, v12;
	v12 =	vshll.u32 v14, $0x10;
	v11 =	vld.idx.msk [tilespmem:v11+s2+$0x0], $0xffff  }
0x52: {  	s1 =	sadd.s32 $0x80, s1;
	v16 =	vadd.s32 $0x80, v17;
	v6 =	vor.u32 v6, v12;
	v10 =	vld.idx.msk [tilespmem:v10+s2+$0x0], $0xffff  }
0x53: {  	v15 =	vadd.s32 $0x80, v15;
	v13 =	vld.idx.msk [tilespmem:v7+s2+$0x0], $0xffff;
	[tilespmem:s1+$0x30] =	vst v6  }
.Ltmp0:
0x54: {  	v14 =	vadd.s32 $0x80, v21;
	v6 =	vld.idx.msk [tilespmem:v8+s2+$0x0], $0xffff;
	(pc) =	sbr.rel @p0 .LBB2_2-.Ltmp0, $4  }
0x55: {  	v12 =	vadd.s32 $0x80, v19;
	v7 =	vld.idx.msk [tilespmem:v9+s2+$0x0], $0xffff  }
0x56: {  	v17 =	vand.u32 $0xFFFF, v23;
	v8 =	vld.idx.msk [tilespmem:v18+s2+$0x0], $0xffff  }
0x57: {  	v11 =	vshll.u32 v11, $0x10;
	v9 =	vld.idx.msk [tilespmem:v20+s2+$0x0], $0xffff  }
0x58: {  	s3 =	sadd.s32 $0x100, s3;
	v17 =	vor.u32 v17, v11;
	v10 =	vand.u32 $0xFFFF, v10;
	v11 =	vld.idx.msk [tilespmem:v22+s2+$0x0], $0xffff  }
0x59: {  	_ =	sdelay $0x3  }
0x5a: {  	v16 =	vld.idx.msk [tilespmem:v16+s2+$0x0], $0xffff  }
0x5b: {  	v15 =	vld.idx.msk [tilespmem:v15+s2+$0x0], $0xffff  }
0x5c: {  	v14 =	vld.idx.msk [tilespmem:v14+s2+$0x0], $0xffff  }
0x5d: {  	v5 =	vld.idx.msk [tilespmem:v5+s2+$0x0], $0xffff  }
0x5e: {  	v13 =	vshll.u32 v13, $0x10;
	v12 =	vld.idx.msk [tilespmem:v12+s2+$0x0], $0xffff  }
0x5f: {  	[tilespmem:s1+$0xFFFFFFD0] =	vst v17;
	v6 =	vand.u32 $0xFFFF, v6;
	v7 =	vshll.u32 v7, $0x10;
	v10 =	vor.u32 v10, v13  }
0x60: {  	v8 =	vand.u32 $0xFFFF, v8;
	v6 =	vor.u32 v6, v7;
	[tilespmem:s1+$0xFFFFFFE0] =	vst v10;
	v9 =	vshll.u32 v9, $0x10  }
0x61: {  	[tilespmem:s1+$0xFFFFFFF0] =	vst v6;
	v7 =	vand.u32 $0xFFFF, v11;
	v8 =	vor.u32 v8, v9;
	v10 =	vshll.u32 v16, $0x10  }
0x62: {  	v6 =	vand.u32 $0xFFFF, v15;
	v9 =	vshll.u32 v14, $0x10;
	[tilespmem:s1+$0x0] =	vst v8;
	v7 =	vor.u32 v7, v10  }
0x63: {  	v5 =	vand.u32 $0xFFFF, v5;
	v8 =	vshll.u32 v12, $0x10;
	v6 =	vor.u32 v6, v9;
	[tilespmem:s1+$0x10] =	vst v7  }
0x64: {  	v5 =	vor.u32 v5, v8;
	[tilespmem:s1+$0x20] =	vst v6  }
0x65: {  	s0 =	simm.s32 $0x0;
	[tilespmem:s1+$0xFFFFFFC0] =	vst v5  }
0x66: {  	[hbm4b:s6+s0] =	stream.linear.scatter [tilespmem:s25], [sflag:$0x3], $0x1900, $0x38;
	[tilespmem:$0x9700] =	vst v63  }
0x67: {  	s8 =	simm.s32 $0xE0;
	v5 =	vor.u32 s0, v0;
	s3 =	rddreg [dreg:$0x6]  }
0x68: {  	v6 =	vor.u32 s8, v0;
	[tilespmem:s22], [sflag:$0x1] =	stream.linear.gather [hbm4b:s3+s0], $0x3200, $0x38;
	[tilespmem:$0x9700] =	vst v63  }
0x69: {  	s9 =	simm.s32 $0x20;
	v7 =	vor.u32 s8, v4;
	_ =	swait.ge [sflag:s26], $0x3200  }
0x6a: {  	v8 =	vor.u32 s9, v0;
	[sflag:s26] =	ssyncset.done $0x0  }
0x6b: {  	s4 =	simm.s32 $0x40;
	v9 =	vor.u32 s9, v2;
	[sflag:s26] =	ssyncadd.s32 $0xFFFFCE00  }
0x6c: {  	v10 =	vor.u32 s4, v0;
	v5 =	vld.idx.msk [tilespmem:v5+s23+$0x0], $0xffff  }
0x6d: {  	s5 =	simm.s32 $0x60;
	v11 =	vor.u32 s4, v3;
	v6 =	vld.idx.msk [tilespmem:v6+s23+$0x0], $0xffff  }
0x6e: {  	v12 =	vor.u32 s5, v0;
	v7 =	vld.idx.msk [tilespmem:v7+s23+$0x0], $0xffff  }
0x6f: {  	s7 =	simm.s32 $0x80;
	v13 =	vor.u32 s5, v4;
	v8 =	vld.idx.msk [tilespmem:v8+s23+$0x0], $0xffff  }
0x70: {  	v14 =	vor.u32 s7, v0;
	v9 =	vld.idx.msk [tilespmem:v9+s23+$0x0], $0xffff  }
0x71: {  	v15 =	vor.u32 s7, v1;
	s8 =	simm.s32 $0xA0;
	v10 =	vld.idx.msk [tilespmem:v10+s23+$0x0], $0xffff  }
0x72: {  	v16 =	vor.u32 s8, v0;
	v11 =	vld.idx.msk [tilespmem:v11+s23+$0x0], $0xffff  }
0x73: {  	v12 =	vld.idx.msk [tilespmem:v12+s23+$0x0], $0xffff;
	v6 =	vadd.s32 $0x80, v6  }
0x74: {  	v13 =	vld.idx.msk [tilespmem:v13+s23+$0x0], $0xffff;
	v7 =	vadd.s32 $0x80, v7  }
0x75: {  	s9 =	simm.s32 $0xC0;
	v17 =	vor.u32 s8, v2;
	v14 =	vld.idx.msk [tilespmem:v14+s23+$0x0], $0xffff  }
0x76: {  	v18 =	vor.u32 s9, v0;
	v15 =	vld.idx.msk [tilespmem:v15+s23+$0x0], $0xffff  }
0x77: {  	v19 =	vor.u32 s9, v3;
	v16 =	vld.idx.msk [tilespmem:v16+s23+$0x0], $0xffff  }
0x78: {  	v20 =	vor.u32 s0, v1;
	v21 =	vld.idx.msk [tilespmem:v6+s2+$0x0], $0xffff  }
0x79: {  	v10 =	vadd.s32 $0x80, v10;
	v7 =	vld.idx.msk [tilespmem:v7+s2+$0x0], $0xffff  }
0x7a: {  	v6 =	vadd.s32 $0x80, v8;
	v8 =	vadd.s32 $0x80, v9;
	v9 =	vld.idx.msk [tilespmem:v17+s23+$0x0], $0xffff  }
0x7b: {  	v17 =	vld.idx.msk [tilespmem:v18+s23+$0x0], $0xffff  }
0x7c: {  	v11 =	vadd.s32 $0x80, v11;
	v18 =	vld.idx.msk [tilespmem:v19+s23+$0x0], $0xffff  }
0x7d: {  	v12 =	vadd.s32 $0x80, v12;
	v19 =	vld.idx.msk [tilespmem:v20+s23+$0x0], $0xffff  }
0x7e: {  	v63 =	vadd.s32 $0x80, v13;
	v10 =	vld.idx.msk [tilespmem:v10+s2+$0x0], $0xffff  }
0x7f: {  	v14 =	vadd.s32 $0x80, v14;
	v22 =	vld.idx.msk [tilespmem:v6+s2+$0x0], $0xffff  }
0x80: {  	v24 =	vadd.s32 $0x80, v15;
	v23 =	vld.idx.msk [tilespmem:v8+s2+$0x0], $0xffff  }
0x81: {  	v25 =	vadd.s32 $0x80, v16;
	v13 =	vld.idx.msk [tilespmem:v11+s2+$0x0], $0xffff  }
0x82: {  	v6 =	vld.idx.msk [tilespmem:v12+s2+$0x0], $0xffff;
	v16 =	vadd.s32 $0x80, v9  }
0x83: {  	v8 =	vand.u32 $0xFFFF, v21;
	v11 =	vshll.u32 v7, $0x10;
	v7 =	vld.idx.msk [tilespmem:v63+s2+$0x0], $0xffff;
	v15 =	vadd.s32 $0x80, v17  }
0x84: {  	v11 =	vor.u32 v8, v11;
	v8 =	vld.idx.msk [tilespmem:v14+s2+$0x0], $0xffff;
	v14 =	vadd.s32 $0x80, v18  }
0x85: {  	s1 =	simm.s32 $0x7E40;
	v5 =	vadd.s32 $0x80, v5;
	v9 =	vld.idx.msk [tilespmem:v24+s2+$0x0], $0xffff;
	v17 =	vand.u32 $0xFFFF, v22;
	v18 =	vshll.u32 v23, $0x10  }
0x86: {  	s0 =	simm.s32 $0x0;
	s3 =	simm.s32 $0x100;
	v12 =	vadd.s32 $0x80, v19;
	v10 =	vand.u32 $0xFFFF, v10;
	[tilespmem:s1+$0x30] =	vst v11;
	v11 =	vld.idx.msk [tilespmem:v25+s2+$0x0], $0xffff;
	v17 =	vor.u32 v17, v18  }
.LBB2_4:
0x87: {  	v18 =	vor.u32 s3, v0;
	v19 =	vor.u32 s3, v1;
	s4 =	sadd.s32 $0x20, s3;
	s5 =	sadd.s32 $0x40, s3;
	s7 =	sadd.s32 $0xE0, s3;
	[tilespmem:s1+$0xFFFFFFD0] =	vst v17;
	v13 =	vshll.u32 v13, $0x10;
	v16 =	vld.idx.msk [tilespmem:v16+s2+$0x0], $0xffff  }
0x88: {  	s8 =	sadd.s32 $0x80, s3;
	s0 =	sadd.s32 $0x8, s0;
	v17 =	vor.u32 s4, v0;
	v20 =	vor.u32 s4, v2;
	s4 =	sadd.s32 $0x60, s3;
	v21 =	vor.u32 s7, v0;
	v15 =	vld.idx.msk [tilespmem:v15+s2+$0x0], $0xffff  }
0x89: {  	s9 =	sadd.s32 $0xC0, s3;
	v22 =	vor.u32 s5, v0;
	v23 =	vor.u32 s5, v3;
	s5 =	sadd.s32 $0xA0, s3;
	v24 =	vor.u32 s7, v4;
	p0 =	slt.u32 s0, $0x188;
	v14 =	vld.idx.msk [tilespmem:v14+s2+$0x0], $0xffff  }
0x8a: {  	v27 =	vor.u32 s8, v0;
	v25 =	vor.u32 s4, v0;
	v26 =	vor.u32 s4, v4;
	v5 =	vld.idx.msk [tilespmem:v5+s2+$0x0], $0xffff  }
0x8b: {  	v28 =	vor.u32 s8, v1;
	v29 =	vor.u32 s5, v0;
	v30 =	vor.u32 s5, v2;
	v12 =	vld.idx.msk [tilespmem:v12+s2+$0x0], $0xffff  }
0x8c: {  	v6 =	vand.u32 $0xFFFF, v6;
	v31 =	vor.u32 s9, v0;
	v32 =	vor.u32 s9, v3;
	v18 =	vld.idx.msk [tilespmem:v18+s23+$0x0], $0xffff  }
0x8d: {  	v7 =	vshll.u32 v7, $0x10;
	v8 =	vand.u32 $0xFFFF, v8;
	v9 =	vshll.u32 v9, $0x10;
	v21 =	vld.idx.msk [tilespmem:v21+s23+$0x0], $0xffff  }
0x8e: {  	v11 =	vand.u32 $0xFFFF, v11;
	v16 =	vshll.u32 v16, $0x10;
	v15 =	vand.u32 $0xFFFF, v15;
	v24 =	vld.idx.msk [tilespmem:v24+s23+$0x0], $0xffff  }
0x8f: {  	v10 =	vor.u32 v10, v13;
	v6 =	vor.u32 v6, v7;
	v7 =	vshll.u32 v14, $0x10;
	v17 =	vld.idx.msk [tilespmem:v17+s23+$0x0], $0xffff  }
0x90: {  	v8 =	vor.u32 v8, v9;
	v9 =	vor.u32 v11, v16;
	v14 =	vand.u32 $0xFFFF, v5;
	v13 =	vld.idx.msk [tilespmem:v20+s23+$0x0], $0xffff;
	[tilespmem:s1+$0xFFFFFFE0] =	vst v10  }
0x91: {  	v11 =	vshll.u32 v12, $0x10;
	v10 =	vld.idx.msk [tilespmem:v22+s23+$0x0], $0xffff;
	[tilespmem:s1+$0xFFFFFFF0] =	vst v6;
	v6 =	vor.u32 v15, v7  }
0x92: {  	v5 =	vadd.s32 $0x80, v18;
	v11 =	vor.u32 v14, v11;
	v7 =	vld.idx.msk [tilespmem:v23+s23+$0x0], $0xffff;
	[tilespmem:s1+$0x0] =	vst v8  }
0x93: {  	v12 =	vadd.s32 $0x80, v21;
	v8 =	vld.idx.msk [tilespmem:v25+s23+$0x0], $0xffff;
	[tilespmem:s1+$0x10] =	vst v9  }
0x94: {  	v14 =	vadd.s32 $0x80, v24;
	v9 =	vld.idx.msk [tilespmem:v26+s23+$0x0], $0xffff;
	[tilespmem:s1+$0x20] =	vst v6  }
0x95: {  	v6 =	vadd.s32 $0x80, v17;
	v15 =	vld.idx.msk [tilespmem:v27+s23+$0x0], $0xffff;
	[tilespmem:s1+$0xFFFFFFC0] =	vst v11  }
0x96: {  	v11 =	vadd.s32 $0x80, v13;
	v13 =	vld.idx.msk [tilespmem:v28+s23+$0x0], $0xffff  }
0x97: {  	v10 =	vadd.s32 $0x80, v10;
	v16 =	vld.idx.msk [tilespmem:v29+s23+$0x0], $0xffff  }
0x98: {  	v7 =	vadd.s32 $0x80, v7;
	v12 =	vld.idx.msk [tilespmem:v12+s2+$0x0], $0xffff  }
0x99: {  	v8 =	vadd.s32 $0x80, v8;
	v14 =	vld.idx.msk [tilespmem:v14+s2+$0x0], $0xffff  }
0x9a: {  	v9 =	vadd.s32 $0x80, v9;
	v17 =	vld.idx.msk [tilespmem:v30+s23+$0x0], $0xffff  }
0x9b: {  	v18 =	vadd.s32 $0x80, v15;
	v15 =	vld.idx.msk [tilespmem:v31+s23+$0x0], $0xffff  }
0x9c: {  	v20 =	vadd.s32 $0x80, v13;
	v21 =	vld.idx.msk [tilespmem:v32+s23+$0x0], $0xffff  }
0x9d: {  	v22 =	vadd.s32 $0x80, v16;
	v19 =	vld.idx.msk [tilespmem:v19+s23+$0x0], $0xffff  }
0x9e: {  	v23 =	vld.idx.msk [tilespmem:v6+s2+$0x0], $0xffff  }
0x9f: {  	v6 =	vand.u32 $0xFFFF, v12;
	v12 =	vshll.u32 v14, $0x10;
	v11 =	vld.idx.msk [tilespmem:v11+s2+$0x0], $0xffff  }
0xa0: {  	s1 =	sadd.s32 $0x80, s1;
	v16 =	vadd.s32 $0x80, v17;
	v6 =	vor.u32 v6, v12;
	v10 =	vld.idx.msk [tilespmem:v10+s2+$0x0], $0xffff  }
0xa1: {  	v15 =	vadd.s32 $0x80, v15;
	v13 =	vld.idx.msk [tilespmem:v7+s2+$0x0], $0xffff;
	[tilespmem:s1+$0x30] =	vst v6  }
.Ltmp1:
0xa2: {  	v14 =	vadd.s32 $0x80, v21;
	v6 =	vld.idx.msk [tilespmem:v8+s2+$0x0], $0xffff;
	(pc) =	sbr.rel @p0 .LBB2_4-.Ltmp1, $4  }
0xa3: {  	v12 =	vadd.s32 $0x80, v19;
	v7 =	vld.idx.msk [tilespmem:v9+s2+$0x0], $0xffff  }
0xa4: {  	v17 =	vand.u32 $0xFFFF, v23;
	v8 =	vld.idx.msk [tilespmem:v18+s2+$0x0], $0xffff  }
0xa5: {  	v11 =	vshll.u32 v11, $0x10;
	v9 =	vld.idx.msk [tilespmem:v20+s2+$0x0], $0xffff  }
0xa6: {  	s3 =	sadd.s32 $0x100, s3;
	v17 =	vor.u32 v17, v11;
	v10 =	vand.u32 $0xFFFF, v10;
	v11 =	vld.idx.msk [tilespmem:v22+s2+$0x0], $0xffff  }
0xa7: {  	_ =	sdelay $0x3  }
0xa8: {  	v16 =	vld.idx.msk [tilespmem:v16+s2+$0x0], $0xffff  }
0xa9: {  	v15 =	vld.idx.msk [tilespmem:v15+s2+$0x0], $0xffff  }
0xaa: {  	v14 =	vld.idx.msk [tilespmem:v14+s2+$0x0], $0xffff  }
0xab: {  	v5 =	vld.idx.msk [tilespmem:v5+s2+$0x0], $0xffff  }
0xac: {  	v13 =	vshll.u32 v13, $0x10;
	v12 =	vld.idx.msk [tilespmem:v12+s2+$0x0], $0xffff  }
0xad: {  	[tilespmem:s1+$0xFFFFFFD0] =	vst v17;
	v6 =	vand.u32 $0xFFFF, v6;
	v7 =	vshll.u32 v7, $0x10;
	v10 =	vor.u32 v10, v13  }
0xae: {  	v8 =	vand.u32 $0xFFFF, v8;
	v6 =	vor.u32 v6, v7;
	[tilespmem:s1+$0xFFFFFFE0] =	vst v10;
	v9 =	vshll.u32 v9, $0x10  }
0xaf: {  	[tilespmem:s1+$0xFFFFFFF0] =	vst v6;
	v7 =	vand.u32 $0xFFFF, v11;
	v8 =	vor.u32 v8, v9;
	v10 =	vshll.u32 v16, $0x10  }
0xb0: {  	v6 =	vand.u32 $0xFFFF, v15;
	v9 =	vshll.u32 v14, $0x10;
	[tilespmem:s1+$0x0] =	vst v8;
	v7 =	vor.u32 v7, v10  }
0xb1: {  	v5 =	vand.u32 $0xFFFF, v5;
	v8 =	vshll.u32 v12, $0x10;
	v6 =	vor.u32 v6, v9;
	[tilespmem:s1+$0x10] =	vst v7  }
0xb2: {  	v5 =	vor.u32 v5, v8;
	[tilespmem:s1+$0x20] =	vst v6  }
0xb3: {  	[tilespmem:s1+$0xFFFFFFC0] =	vst v5  }
0xb4: {  	s0 =	simm.s32 $0x0;
	s1 =	rddreg [dreg:$0x7]  }
0xb5: {  	[hbm4b:s1+s0] =	stream.linear.scatter [tilespmem:s28], [sflag:$0x4], $0x1900, $0x38;
	[tilespmem:$0x9700] =	vst v63  }
0xb6: {  	s8 =	rddreg [dreg:$0x8]  }
0xb7: {  	[tilespmem:s23], [sflag:$0x2] =	stream.linear.gather [hbm4b:s8+s0], $0x3200, $0x38;
	[tilespmem:$0x9700] =	vst v63  }
0xb8: {  	_ =	swait.ge [sflag:s24], $0x3200  }
0xb9: {  	s9 =	simm.s32 $0xE0;
	v5 =	vor.u32 s0, v0;
	[sflag:s24] =	ssyncset.done $0x0  }
0xba: {  	v6 =	vor.u32 s9, v0;
	[sflag:s24] =	ssyncadd.s32 $0xFFFFCE00  }
0xbb: {  	s3 =	simm.s32 $0x20;
	v7 =	vor.u32 s9, v4;
	_ =	swait.ge [sflag:s29], $0x1900  }
0xbc: {  	v8 =	vor.u32 s3, v0;
	[sflag:s29] =	ssyncset.done $0x0  }
0xbd: {  	s4 =	simm.s32 $0x40;
	v9 =	vor.u32 s3, v2;
	[sflag:s29] =	ssyncadd.s32 $0xFFFFE700  }
0xbe: {  	v10 =	vor.u32 s4, v0;
	v5 =	vld.idx.msk [tilespmem:v5+s22+$0x0], $0xffff  }
0xbf: {  	s5 =	simm.s32 $0x60;
	v11 =	vor.u32 s4, v3;
	v6 =	vld.idx.msk [tilespmem:v6+s22+$0x0], $0xffff  }
0xc0: {  	v12 =	vor.u32 s5, v0;
	v7 =	vld.idx.msk [tilespmem:v7+s22+$0x0], $0xffff  }
0xc1: {  	s7 =	simm.s32 $0x80;
	v13 =	vor.u32 s5, v4;
	v8 =	vld.idx.msk [tilespmem:v8+s22+$0x0], $0xffff  }
0xc2: {  	v14 =	vor.u32 s7, v0;
	v9 =	vld.idx.msk [tilespmem:v9+s22+$0x0], $0xffff  }
0xc3: {  	v15 =	vor.u32 s7, v1;
	s8 =	simm.s32 $0xA0;
	v10 =	vld.idx.msk [tilespmem:v10+s22+$0x0], $0xffff  }
0xc4: {  	v16 =	vor.u32 s8, v0;
	v11 =	vld.idx.msk [tilespmem:v11+s22+$0x0], $0xffff  }
0xc5: {  	v12 =	vld.idx.msk [tilespmem:v12+s22+$0x0], $0xffff;
	v6 =	vadd.s32 $0x80, v6  }
0xc6: {  	v13 =	vld.idx.msk [tilespmem:v13+s22+$0x0], $0xffff;
	v7 =	vadd.s32 $0x80, v7  }
0xc7: {  	s9 =	simm.s32 $0xC0;
	v17 =	vor.u32 s8, v2;
	v14 =	vld.idx.msk [tilespmem:v14+s22+$0x0], $0xffff  }
0xc8: {  	v18 =	vor.u32 s9, v0;
	v15 =	vld.idx.msk [tilespmem:v15+s22+$0x0], $0xffff  }
0xc9: {  	v19 =	vor.u32 s9, v3;
	v16 =	vld.idx.msk [tilespmem:v16+s22+$0x0], $0xffff  }
0xca: {  	v20 =	vor.u32 s0, v1;
	v21 =	vld.idx.msk [tilespmem:v6+s2+$0x0], $0xffff  }
0xcb: {  	v10 =	vadd.s32 $0x80, v10;
	v7 =	vld.idx.msk [tilespmem:v7+s2+$0x0], $0xffff  }
0xcc: {  	v6 =	vadd.s32 $0x80, v8;
	v8 =	vadd.s32 $0x80, v9;
	v9 =	vld.idx.msk [tilespmem:v17+s22+$0x0], $0xffff  }
0xcd: {  	v17 =	vld.idx.msk [tilespmem:v18+s22+$0x0], $0xffff  }
0xce: {  	v11 =	vadd.s32 $0x80, v11;
	v18 =	vld.idx.msk [tilespmem:v19+s22+$0x0], $0xffff  }
0xcf: {  	v12 =	vadd.s32 $0x80, v12;
	v19 =	vld.idx.msk [tilespmem:v20+s22+$0x0], $0xffff  }
0xd0: {  	v63 =	vadd.s32 $0x80, v13;
	v10 =	vld.idx.msk [tilespmem:v10+s2+$0x0], $0xffff  }
0xd1: {  	v14 =	vadd.s32 $0x80, v14;
	v22 =	vld.idx.msk [tilespmem:v6+s2+$0x0], $0xffff  }
0xd2: {  	v24 =	vadd.s32 $0x80, v15;
	v23 =	vld.idx.msk [tilespmem:v8+s2+$0x0], $0xffff  }
0xd3: {  	v25 =	vadd.s32 $0x80, v16;
	v13 =	vld.idx.msk [tilespmem:v11+s2+$0x0], $0xffff  }
0xd4: {  	v6 =	vld.idx.msk [tilespmem:v12+s2+$0x0], $0xffff;
	v16 =	vadd.s32 $0x80, v9  }
0xd5: {  	v8 =	vand.u32 $0xFFFF, v21;
	v11 =	vshll.u32 v7, $0x10;
	v7 =	vld.idx.msk [tilespmem:v63+s2+$0x0], $0xffff;
	v15 =	vadd.s32 $0x80, v17  }
0xd6: {  	v11 =	vor.u32 v8, v11;
	v8 =	vld.idx.msk [tilespmem:v14+s2+$0x0], $0xffff;
	v14 =	vadd.s32 $0x80, v18  }
0xd7: {  	s1 =	simm.s32 $0x6540;
	v5 =	vadd.s32 $0x80, v5;
	v9 =	vld.idx.msk [tilespmem:v24+s2+$0x0], $0xffff;
	v17 =	vand.u32 $0xFFFF, v22;
	v18 =	vshll.u32 v23, $0x10  }
0xd8: {  	s3 =	simm.s32 $0x100;
	s0 =	simm.s32 $0x0;
	v12 =	vadd.s32 $0x80, v19;
	v10 =	vand.u32 $0xFFFF, v10;
	[tilespmem:s1+$0x30] =	vst v11;
	v11 =	vld.idx.msk [tilespmem:v25+s2+$0x0], $0xffff;
	v17 =	vor.u32 v17, v18  }
.LBB2_6:
0xd9: {  	v18 =	vor.u32 s3, v0;
	v19 =	vor.u32 s3, v1;
	s4 =	sadd.s32 $0x20, s3;
	s5 =	sadd.s32 $0x40, s3;
	s7 =	sadd.s32 $0xE0, s3;
	[tilespmem:s1+$0xFFFFFFD0] =	vst v17;
	v13 =	vshll.u32 v13, $0x10;
	v16 =	vld.idx.msk [tilespmem:v16+s2+$0x0], $0xffff  }
0xda: {  	s8 =	sadd.s32 $0x80, s3;
	s0 =	sadd.s32 $0x8, s0;
	v17 =	vor.u32 s4, v0;
	v20 =	vor.u32 s4, v2;
	s4 =	sadd.s32 $0x60, s3;
	v21 =	vor.u32 s7, v0;
	v15 =	vld.idx.msk [tilespmem:v15+s2+$0x0], $0xffff  }
0xdb: {  	s9 =	sadd.s32 $0xC0, s3;
	v22 =	vor.u32 s5, v0;
	v23 =	vor.u32 s5, v3;
	s5 =	sadd.s32 $0xA0, s3;
	v24 =	vor.u32 s7, v4;
	p0 =	slt.u32 s0, $0x188;
	v14 =	vld.idx.msk [tilespmem:v14+s2+$0x0], $0xffff  }
0xdc: {  	v27 =	vor.u32 s8, v0;
	v25 =	vor.u32 s4, v0;
	v26 =	vor.u32 s4, v4;
	v5 =	vld.idx.msk [tilespmem:v5+s2+$0x0], $0xffff  }
0xdd: {  	v28 =	vor.u32 s8, v1;
	v29 =	vor.u32 s5, v0;
	v30 =	vor.u32 s5, v2;
	v12 =	vld.idx.msk [tilespmem:v12+s2+$0x0], $0xffff  }
0xde: {  	v6 =	vand.u32 $0xFFFF, v6;
	v31 =	vor.u32 s9, v0;
	v32 =	vor.u32 s9, v3;
	v18 =	vld.idx.msk [tilespmem:v18+s22+$0x0], $0xffff  }
0xdf: {  	v7 =	vshll.u32 v7, $0x10;
	v8 =	vand.u32 $0xFFFF, v8;
	v9 =	vshll.u32 v9, $0x10;
	v21 =	vld.idx.msk [tilespmem:v21+s22+$0x0], $0xffff  }
0xe0: {  	v11 =	vand.u32 $0xFFFF, v11;
	v16 =	vshll.u32 v16, $0x10;
	v15 =	vand.u32 $0xFFFF, v15;
	v24 =	vld.idx.msk [tilespmem:v24+s22+$0x0], $0xffff  }
0xe1: {  	v10 =	vor.u32 v10, v13;
	v6 =	vor.u32 v6, v7;
	v7 =	vshll.u32 v14, $0x10;
	v17 =	vld.idx.msk [tilespmem:v17+s22+$0x0], $0xffff  }
0xe2: {  	v8 =	vor.u32 v8, v9;
	v9 =	vor.u32 v11, v16;
	v14 =	vand.u32 $0xFFFF, v5;
	v13 =	vld.idx.msk [tilespmem:v20+s22+$0x0], $0xffff;
	[tilespmem:s1+$0xFFFFFFE0] =	vst v10  }
0xe3: {  	v11 =	vshll.u32 v12, $0x10;
	v10 =	vld.idx.msk [tilespmem:v22+s22+$0x0], $0xffff;
	[tilespmem:s1+$0xFFFFFFF0] =	vst v6;
	v6 =	vor.u32 v15, v7  }
0xe4: {  	v5 =	vadd.s32 $0x80, v18;
	v11 =	vor.u32 v14, v11;
	v7 =	vld.idx.msk [tilespmem:v23+s22+$0x0], $0xffff;
	[tilespmem:s1+$0x0] =	vst v8  }
0xe5: {  	v12 =	vadd.s32 $0x80, v21;
	v8 =	vld.idx.msk [tilespmem:v25+s22+$0x0], $0xffff;
	[tilespmem:s1+$0x10] =	vst v9  }
0xe6: {  	v14 =	vadd.s32 $0x80, v24;
	v9 =	vld.idx.msk [tilespmem:v26+s22+$0x0], $0xffff;
	[tilespmem:s1+$0x20] =	vst v6  }
0xe7: {  	v6 =	vadd.s32 $0x80, v17;
	v15 =	vld.idx.msk [tilespmem:v27+s22+$0x0], $0xffff;
	[tilespmem:s1+$0xFFFFFFC0] =	vst v11  }
0xe8: {  	v11 =	vadd.s32 $0x80, v13;
	v13 =	vld.idx.msk [tilespmem:v28+s22+$0x0], $0xffff  }
0xe9: {  	v10 =	vadd.s32 $0x80, v10;
	v16 =	vld.idx.msk [tilespmem:v29+s22+$0x0], $0xffff  }
0xea: {  	v7 =	vadd.s32 $0x80, v7;
	v12 =	vld.idx.msk [tilespmem:v12+s2+$0x0], $0xffff  }
0xeb: {  	v8 =	vadd.s32 $0x80, v8;
	v14 =	vld.idx.msk [tilespmem:v14+s2+$0x0], $0xffff  }
0xec: {  	v9 =	vadd.s32 $0x80, v9;
	v17 =	vld.idx.msk [tilespmem:v30+s22+$0x0], $0xffff  }
0xed: {  	v18 =	vadd.s32 $0x80, v15;
	v15 =	vld.idx.msk [tilespmem:v31+s22+$0x0], $0xffff  }
0xee: {  	v20 =	vadd.s32 $0x80, v13;
	v21 =	vld.idx.msk [tilespmem:v32+s22+$0x0], $0xffff  }
0xef: {  	v22 =	vadd.s32 $0x80, v16;
	v19 =	vld.idx.msk [tilespmem:v19+s22+$0x0], $0xffff  }
0xf0: {  	v23 =	vld.idx.msk [tilespmem:v6+s2+$0x0], $0xffff  }
0xf1: {  	v6 =	vand.u32 $0xFFFF, v12;
	v12 =	vshll.u32 v14, $0x10;
	v11 =	vld.idx.msk [tilespmem:v11+s2+$0x0], $0xffff  }
0xf2: {  	s1 =	sadd.s32 $0x80, s1;
	v16 =	vadd.s32 $0x80, v17;
	v6 =	vor.u32 v6, v12;
	v10 =	vld.idx.msk [tilespmem:v10+s2+$0x0], $0xffff  }
0xf3: {  	v15 =	vadd.s32 $0x80, v15;
	v13 =	vld.idx.msk [tilespmem:v7+s2+$0x0], $0xffff;
	[tilespmem:s1+$0x30] =	vst v6  }
.Ltmp2:
0xf4: {  	v14 =	vadd.s32 $0x80, v21;
	v6 =	vld.idx.msk [tilespmem:v8+s2+$0x0], $0xffff;
	(pc) =	sbr.rel @p0 .LBB2_6-.Ltmp2, $4  }
0xf5: {  	v12 =	vadd.s32 $0x80, v19;
	v7 =	vld.idx.msk [tilespmem:v9+s2+$0x0], $0xffff  }
0xf6: {  	v17 =	vand.u32 $0xFFFF, v23;
	v8 =	vld.idx.msk [tilespmem:v18+s2+$0x0], $0xffff  }
0xf7: {  	v11 =	vshll.u32 v11, $0x10;
	v9 =	vld.idx.msk [tilespmem:v20+s2+$0x0], $0xffff  }
0xf8: {  	s3 =	sadd.s32 $0x100, s3;
	v17 =	vor.u32 v17, v11;
	v10 =	vand.u32 $0xFFFF, v10;
	v11 =	vld.idx.msk [tilespmem:v22+s2+$0x0], $0xffff  }
0xf9: {  	_ =	sdelay $0x3  }
0xfa: {  	v16 =	vld.idx.msk [tilespmem:v16+s2+$0x0], $0xffff  }
0xfb: {  	v15 =	vld.idx.msk [tilespmem:v15+s2+$0x0], $0xffff  }
0xfc: {  	v14 =	vld.idx.msk [tilespmem:v14+s2+$0x0], $0xffff  }
0xfd: {  	v5 =	vld.idx.msk [tilespmem:v5+s2+$0x0], $0xffff  }
0xfe: {  	v13 =	vshll.u32 v13, $0x10;
	v12 =	vld.idx.msk [tilespmem:v12+s2+$0x0], $0xffff  }
0xff: {  	[tilespmem:s1+$0xFFFFFFD0] =	vst v17;
	v6 =	vand.u32 $0xFFFF, v6;
	v7 =	vshll.u32 v7, $0x10;
	v10 =	vor.u32 v10, v13  }
0x100: {  	v8 =	vand.u32 $0xFFFF, v8;
	v6 =	vor.u32 v6, v7;
	[tilespmem:s1+$0xFFFFFFE0] =	vst v10;
	v9 =	vshll.u32 v9, $0x10  }
0x101: {  	[tilespmem:s1+$0xFFFFFFF0] =	vst v6;
	v7 =	vand.u32 $0xFFFF, v11;
	v8 =	vor.u32 v8, v9;
	v10 =	vshll.u32 v16, $0x10  }
0x102: {  	v6 =	vand.u32 $0xFFFF, v15;
	v9 =	vshll.u32 v14, $0x10;
	[tilespmem:s1+$0x0] =	vst v8;
	v7 =	vor.u32 v7, v10  }
0x103: {  	v5 =	vand.u32 $0xFFFF, v5;
	v8 =	vshll.u32 v12, $0x10;
	v6 =	vor.u32 v6, v9;
	[tilespmem:s1+$0x10] =	vst v7  }
0x104: {  	v5 =	vor.u32 v5, v8;
	[tilespmem:s1+$0x20] =	vst v6  }
0x105: {  	s0 =	simm.s32 $0x0;
	[tilespmem:s1+$0xFFFFFFC0] =	vst v5  }
0x106: {  	[hbm4b:s10+s0] =	stream.linear.scatter [tilespmem:s25], [sflag:$0x3], $0x1900, $0x38;
	[tilespmem:$0x9700] =	vst v63  }
0x107: {  	_ = 	snop  }
0x108: {  	[tilespmem:s22], [sflag:$0x1] =	stream.linear.gather [hbm4b:s11+s0], $0x3200, $0x38;
	[tilespmem:$0x9700] =	vst v63  }
0x109: {  	_ =	swait.ge [sflag:s26], $0x3200  }
0x10a: {  	s9 =	simm.s32 $0xE0;
	v5 =	vor.u32 s0, v0;
	[sflag:s26] =	ssyncset.done $0x0  }
0x10b: {  	v6 =	vor.u32 s9, v0;
	[sflag:s26] =	ssyncadd.s32 $0xFFFFCE00  }
0x10c: {  	s3 =	simm.s32 $0x20;
	v7 =	vor.u32 s9, v4;
	_ =	swait.ge [sflag:s30], $0x1900  }
0x10d: {  	v8 =	vor.u32 s3, v0;
	[sflag:s30] =	ssyncset.done $0x0  }
0x10e: {  	s4 =	simm.s32 $0x40;
	v9 =	vor.u32 s3, v2;
	[sflag:s30] =	ssyncadd.s32 $0xFFFFE700  }
0x10f: {  	v10 =	vor.u32 s4, v0;
	v5 =	vld.idx.msk [tilespmem:v5+s23+$0x0], $0xffff  }
0x110: {  	s5 =	simm.s32 $0x60;
	v11 =	vor.u32 s4, v3;
	v6 =	vld.idx.msk [tilespmem:v6+s23+$0x0], $0xffff  }
0x111: {  	v12 =	vor.u32 s5, v0;
	v7 =	vld.idx.msk [tilespmem:v7+s23+$0x0], $0xffff  }
0x112: {  	s7 =	simm.s32 $0x80;
	v13 =	vor.u32 s5, v4;
	v8 =	vld.idx.msk [tilespmem:v8+s23+$0x0], $0xffff  }
0x113: {  	v14 =	vor.u32 s7, v0;
	v9 =	vld.idx.msk [tilespmem:v9+s23+$0x0], $0xffff  }
0x114: {  	s8 =	simm.s32 $0xA0;
	v15 =	vor.u32 s7, v1;
	v10 =	vld.idx.msk [tilespmem:v10+s23+$0x0], $0xffff  }
0x115: {  	v16 =	vor.u32 s8, v0;
	v11 =	vld.idx.msk [tilespmem:v11+s23+$0x0], $0xffff  }
0x116: {  	v12 =	vld.idx.msk [tilespmem:v12+s23+$0x0], $0xffff;
	v6 =	vadd.s32 $0x80, v6  }
0x117: {  	v13 =	vld.idx.msk [tilespmem:v13+s23+$0x0], $0xffff;
	v7 =	vadd.s32 $0x80, v7  }
0x118: {  	v17 =	vor.u32 s8, v2;
	s9 =	simm.s32 $0xC0;
	v14 =	vld.idx.msk [tilespmem:v14+s23+$0x0], $0xffff  }
0x119: {  	v18 =	vor.u32 s9, v0;
	v15 =	vld.idx.msk [tilespmem:v15+s23+$0x0], $0xffff  }
0x11a: {  	v19 =	vor.u32 s9, v3;
	v16 =	vld.idx.msk [tilespmem:v16+s23+$0x0], $0xffff  }
0x11b: {  	v20 =	vor.u32 s0, v1;
	v21 =	vld.idx.msk [tilespmem:v6+s2+$0x0], $0xffff  }
0x11c: {  	v10 =	vadd.s32 $0x80, v10;
	v7 =	vld.idx.msk [tilespmem:v7+s2+$0x0], $0xffff  }
0x11d: {  	v6 =	vadd.s32 $0x80, v8;
	v8 =	vadd.s32 $0x80, v9;
	v9 =	vld.idx.msk [tilespmem:v17+s23+$0x0], $0xffff  }
0x11e: {  	v17 =	vld.idx.msk [tilespmem:v18+s23+$0x0], $0xffff  }
0x11f: {  	v11 =	vadd.s32 $0x80, v11;
	v18 =	vld.idx.msk [tilespmem:v19+s23+$0x0], $0xffff  }
0x120: {  	v12 =	vadd.s32 $0x80, v12;
	v19 =	vld.idx.msk [tilespmem:v20+s23+$0x0], $0xffff  }
0x121: {  	v63 =	vadd.s32 $0x80, v13;
	v10 =	vld.idx.msk [tilespmem:v10+s2+$0x0], $0xffff  }
0x122: {  	v14 =	vadd.s32 $0x80, v14;
	v22 =	vld.idx.msk [tilespmem:v6+s2+$0x0], $0xffff  }
0x123: {  	v24 =	vadd.s32 $0x80, v15;
	v23 =	vld.idx.msk [tilespmem:v8+s2+$0x0], $0xffff  }
0x124: {  	v25 =	vadd.s32 $0x80, v16;
	v13 =	vld.idx.msk [tilespmem:v11+s2+$0x0], $0xffff  }
0x125: {  	v6 =	vld.idx.msk [tilespmem:v12+s2+$0x0], $0xffff;
	v16 =	vadd.s32 $0x80, v9  }
0x126: {  	v8 =	vand.u32 $0xFFFF, v21;
	v11 =	vshll.u32 v7, $0x10;
	v7 =	vld.idx.msk [tilespmem:v63+s2+$0x0], $0xffff;
	v15 =	vadd.s32 $0x80, v17  }
0x127: {  	v11 =	vor.u32 v8, v11;
	v8 =	vld.idx.msk [tilespmem:v14+s2+$0x0], $0xffff;
	v14 =	vadd.s32 $0x80, v18  }
0x128: {  	s1 =	simm.s32 $0x7E40;
	v5 =	vadd.s32 $0x80, v5;
	v9 =	vld.idx.msk [tilespmem:v24+s2+$0x0], $0xffff;
	v17 =	vand.u32 $0xFFFF, v22;
	v18 =	vshll.u32 v23, $0x10  }
0x129: {  	s3 =	simm.s32 $0x100;
	s0 =	simm.s32 $0x0;
	v12 =	vadd.s32 $0x80, v19;
	v10 =	vand.u32 $0xFFFF, v10;
	[tilespmem:s1+$0x30] =	vst v11;
	v11 =	vld.idx.msk [tilespmem:v25+s2+$0x0], $0xffff;
	v17 =	vor.u32 v17, v18  }
.LBB2_8:
0x12a: {  	v18 =	vor.u32 s3, v0;
	v19 =	vor.u32 s3, v1;
	s4 =	sadd.s32 $0x20, s3;
	s5 =	sadd.s32 $0x40, s3;
	s7 =	sadd.s32 $0xE0, s3;
	[tilespmem:s1+$0xFFFFFFD0] =	vst v17;
	v13 =	vshll.u32 v13, $0x10;
	v16 =	vld.idx.msk [tilespmem:v16+s2+$0x0], $0xffff  }
0x12b: {  	s8 =	sadd.s32 $0x80, s3;
	s0 =	sadd.s32 $0x8, s0;
	v17 =	vor.u32 s4, v0;
	v20 =	vor.u32 s4, v2;
	s4 =	sadd.s32 $0x60, s3;
	v21 =	vor.u32 s7, v0;
	v15 =	vld.idx.msk [tilespmem:v15+s2+$0x0], $0xffff  }
0x12c: {  	s9 =	sadd.s32 $0xC0, s3;
	v22 =	vor.u32 s5, v0;
	v23 =	vor.u32 s5, v3;
	s5 =	sadd.s32 $0xA0, s3;
	v24 =	vor.u32 s7, v4;
	p0 =	slt.u32 s0, $0x188;
	v14 =	vld.idx.msk [tilespmem:v14+s2+$0x0], $0xffff  }
0x12d: {  	v27 =	vor.u32 s8, v0;
	v25 =	vor.u32 s4, v0;
	v26 =	vor.u32 s4, v4;
	v5 =	vld.idx.msk [tilespmem:v5+s2+$0x0], $0xffff  }
0x12e: {  	v28 =	vor.u32 s8, v1;
	v29 =	vor.u32 s5, v0;
	v30 =	vor.u32 s5, v2;
	v12 =	vld.idx.msk [tilespmem:v12+s2+$0x0], $0xffff  }
0x12f: {  	v6 =	vand.u32 $0xFFFF, v6;
	v31 =	vor.u32 s9, v0;
	v32 =	vor.u32 s9, v3;
	v18 =	vld.idx.msk [tilespmem:v18+s23+$0x0], $0xffff  }
0x130: {  	v7 =	vshll.u32 v7, $0x10;
	v8 =	vand.u32 $0xFFFF, v8;
	v9 =	vshll.u32 v9, $0x10;
	v21 =	vld.idx.msk [tilespmem:v21+s23+$0x0], $0xffff  }
0x131: {  	v11 =	vand.u32 $0xFFFF, v11;
	v16 =	vshll.u32 v16, $0x10;
	v15 =	vand.u32 $0xFFFF, v15;
	v24 =	vld.idx.msk [tilespmem:v24+s23+$0x0], $0xffff  }
0x132: {  	v10 =	vor.u32 v10, v13;
	v6 =	vor.u32 v6, v7;
	v7 =	vshll.u32 v14, $0x10;
	v17 =	vld.idx.msk [tilespmem:v17+s23+$0x0], $0xffff  }
0x133: {  	v8 =	vor.u32 v8, v9;
	v9 =	vor.u32 v11, v16;
	v14 =	vand.u32 $0xFFFF, v5;
	v13 =	vld.idx.msk [tilespmem:v20+s23+$0x0], $0xffff;
	[tilespmem:s1+$0xFFFFFFE0] =	vst v10  }
0x134: {  	v11 =	vshll.u32 v12, $0x10;
	v10 =	vld.idx.msk [tilespmem:v22+s23+$0x0], $0xffff;
	[tilespmem:s1+$0xFFFFFFF0] =	vst v6;
	v6 =	vor.u32 v15, v7  }
0x135: {  	v5 =	vadd.s32 $0x80, v18;
	v11 =	vor.u32 v14, v11;
	v7 =	vld.idx.msk [tilespmem:v23+s23+$0x0], $0xffff;
	[tilespmem:s1+$0x0] =	vst v8  }
0x136: {  	v12 =	vadd.s32 $0x80, v21;
	v8 =	vld.idx.msk [tilespmem:v25+s23+$0x0], $0xffff;
	[tilespmem:s1+$0x10] =	vst v9  }
0x137: {  	v14 =	vadd.s32 $0x80, v24;
	v9 =	vld.idx.msk [tilespmem:v26+s23+$0x0], $0xffff;
	[tilespmem:s1+$0x20] =	vst v6  }
0x138: {  	v6 =	vadd.s32 $0x80, v17;
	v15 =	vld.idx.msk [tilespmem:v27+s23+$0x0], $0xffff;
	[tilespmem:s1+$0xFFFFFFC0] =	vst v11  }
0x139: {  	v11 =	vadd.s32 $0x80, v13;
	v13 =	vld.idx.msk [tilespmem:v28+s23+$0x0], $0xffff  }
0x13a: {  	v10 =	vadd.s32 $0x80, v10;
	v16 =	vld.idx.msk [tilespmem:v29+s23+$0x0], $0xffff  }
0x13b: {  	v7 =	vadd.s32 $0x80, v7;
	v12 =	vld.idx.msk [tilespmem:v12+s2+$0x0], $0xffff  }
0x13c: {  	v8 =	vadd.s32 $0x80, v8;
	v14 =	vld.idx.msk [tilespmem:v14+s2+$0x0], $0xffff  }
0x13d: {  	v9 =	vadd.s32 $0x80, v9;
	v17 =	vld.idx.msk [tilespmem:v30+s23+$0x0], $0xffff  }
0x13e: {  	v18 =	vadd.s32 $0x80, v15;
	v15 =	vld.idx.msk [tilespmem:v31+s23+$0x0], $0xffff  }
0x13f: {  	v20 =	vadd.s32 $0x80, v13;
	v21 =	vld.idx.msk [tilespmem:v32+s23+$0x0], $0xffff  }
0x140: {  	v22 =	vadd.s32 $0x80, v16;
	v19 =	vld.idx.msk [tilespmem:v19+s23+$0x0], $0xffff  }
0x141: {  	v23 =	vld.idx.msk [tilespmem:v6+s2+$0x0], $0xffff  }
0x142: {  	v6 =	vand.u32 $0xFFFF, v12;
	v12 =	vshll.u32 v14, $0x10;
	v11 =	vld.idx.msk [tilespmem:v11+s2+$0x0], $0xffff  }
0x143: {  	s1 =	sadd.s32 $0x80, s1;
	v16 =	vadd.s32 $0x80, v17;
	v6 =	vor.u32 v6, v12;
	v10 =	vld.idx.msk [tilespmem:v10+s2+$0x0], $0xffff  }
0x144: {  	v15 =	vadd.s32 $0x80, v15;
	v13 =	vld.idx.msk [tilespmem:v7+s2+$0x0], $0xffff;
	[tilespmem:s1+$0x30] =	vst v6  }
.Ltmp3:
0x145: {  	v14 =	vadd.s32 $0x80, v21;
	v6 =	vld.idx.msk [tilespmem:v8+s2+$0x0], $0xffff;
	(pc) =	sbr.rel @p0 .LBB2_8-.Ltmp3, $4  }
0x146: {  	v12 =	vadd.s32 $0x80, v19;
	v7 =	vld.idx.msk [tilespmem:v9+s2+$0x0], $0xffff  }
0x147: {  	v17 =	vand.u32 $0xFFFF, v23;
	v8 =	vld.idx.msk [tilespmem:v18+s2+$0x0], $0xffff  }
0x148: {  	v11 =	vshll.u32 v11, $0x10;
	v9 =	vld.idx.msk [tilespmem:v20+s2+$0x0], $0xffff  }
0x149: {  	s3 =	sadd.s32 $0x100, s3;
	v17 =	vor.u32 v17, v11;
	v10 =	vand.u32 $0xFFFF, v10;
	v11 =	vld.idx.msk [tilespmem:v22+s2+$0x0], $0xffff  }
0x14a: {  	_ =	sdelay $0x3  }
0x14b: {  	v16 =	vld.idx.msk [tilespmem:v16+s2+$0x0], $0xffff  }
0x14c: {  	v15 =	vld.idx.msk [tilespmem:v15+s2+$0x0], $0xffff  }
0x14d: {  	v14 =	vld.idx.msk [tilespmem:v14+s2+$0x0], $0xffff  }
0x14e: {  	v5 =	vld.idx.msk [tilespmem:v5+s2+$0x0], $0xffff  }
0x14f: {  	v13 =	vshll.u32 v13, $0x10;
	v12 =	vld.idx.msk [tilespmem:v12+s2+$0x0], $0xffff  }
0x150: {  	[tilespmem:s1+$0xFFFFFFD0] =	vst v17;
	v6 =	vand.u32 $0xFFFF, v6;
	v7 =	vshll.u32 v7, $0x10;
	v10 =	vor.u32 v10, v13  }
0x151: {  	v8 =	vand.u32 $0xFFFF, v8;
	v6 =	vor.u32 v6, v7;
	[tilespmem:s1+$0xFFFFFFE0] =	vst v10;
	v9 =	vshll.u32 v9, $0x10  }
0x152: {  	[tilespmem:s1+$0xFFFFFFF0] =	vst v6;
	v7 =	vand.u32 $0xFFFF, v11;
	v8 =	vor.u32 v8, v9;
	v10 =	vshll.u32 v16, $0x10  }
0x153: {  	v6 =	vand.u32 $0xFFFF, v15;
	v9 =	vshll.u32 v14, $0x10;
	[tilespmem:s1+$0x0] =	vst v8;
	v7 =	vor.u32 v7, v10  }
0x154: {  	v5 =	vand.u32 $0xFFFF, v5;
	v8 =	vshll.u32 v12, $0x10;
	v6 =	vor.u32 v6, v9;
	[tilespmem:s1+$0x10] =	vst v7  }
0x155: {  	v5 =	vor.u32 v5, v8;
	[tilespmem:s1+$0x20] =	vst v6  }
0x156: {  	s0 =	simm.s32 $0x0;
	[tilespmem:s1+$0xFFFFFFC0] =	vst v5  }
0x157: {  	[hbm4b:s12+s0] =	stream.linear.scatter [tilespmem:s28], [sflag:$0x4], $0x1900, $0x38;
	[tilespmem:$0x9700] =	vst v63  }
0x158: {  	_ = 	snop  }
0x159: {  	[tilespmem:s23], [sflag:$0x2] =	stream.linear.gather [hbm4b:s13+s0], $0x3200, $0x38;
	[tilespmem:$0x9700] =	vst v63  }
0x15a: {  	_ =	swait.ge [sflag:s24], $0x3200  }
0x15b: {  	s9 =	simm.s32 $0xE0;
	v5 =	vor.u32 s0, v0;
	[sflag:s24] =	ssyncset.done $0x0  }
0x15c: {  	v6 =	vor.u32 s9, v0;
	[sflag:s24] =	ssyncadd.s32 $0xFFFFCE00  }
0x15d: {  	s3 =	simm.s32 $0x20;
	v7 =	vor.u32 s9, v4;
	_ =	swait.ge [sflag:s29], $0x1900  }
0x15e: {  	v8 =	vor.u32 s3, v0;
	[sflag:s29] =	ssyncset.done $0x0  }
0x15f: {  	s4 =	simm.s32 $0x40;
	v9 =	vor.u32 s3, v2;
	[sflag:s29] =	ssyncadd.s32 $0xFFFFE700  }
0x160: {  	v10 =	vor.u32 s4, v0;
	v5 =	vld.idx.msk [tilespmem:v5+s22+$0x0], $0xffff  }
0x161: {  	s5 =	simm.s32 $0x60;
	v11 =	vor.u32 s4, v3;
	v6 =	vld.idx.msk [tilespmem:v6+s22+$0x0], $0xffff  }
0x162: {  	v12 =	vor.u32 s5, v0;
	v7 =	vld.idx.msk [tilespmem:v7+s22+$0x0], $0xffff  }
0x163: {  	s7 =	simm.s32 $0x80;
	v13 =	vor.u32 s5, v4;
	v8 =	vld.idx.msk [tilespmem:v8+s22+$0x0], $0xffff  }
0x164: {  	v14 =	vor.u32 s7, v0;
	v9 =	vld.idx.msk [tilespmem:v9+s22+$0x0], $0xffff  }
0x165: {  	s8 =	simm.s32 $0xA0;
	v15 =	vor.u32 s7, v1;
	v10 =	vld.idx.msk [tilespmem:v10+s22+$0x0], $0xffff  }
0x166: {  	v16 =	vor.u32 s8, v0;
	v11 =	vld.idx.msk [tilespmem:v11+s22+$0x0], $0xffff  }
0x167: {  	v12 =	vld.idx.msk [tilespmem:v12+s22+$0x0], $0xffff;
	v6 =	vadd.s32 $0x80, v6  }
0x168: {  	v13 =	vld.idx.msk [tilespmem:v13+s22+$0x0], $0xffff;
	v7 =	vadd.s32 $0x80, v7  }
0x169: {  	v17 =	vor.u32 s8, v2;
	s9 =	simm.s32 $0xC0;
	v14 =	vld.idx.msk [tilespmem:v14+s22+$0x0], $0xffff  }
0x16a: {  	v18 =	vor.u32 s9, v0;
	v15 =	vld.idx.msk [tilespmem:v15+s22+$0x0], $0xffff  }
0x16b: {  	v19 =	vor.u32 s9, v3;
	v16 =	vld.idx.msk [tilespmem:v16+s22+$0x0], $0xffff  }
0x16c: {  	v20 =	vor.u32 s0, v1;
	v21 =	vld.idx.msk [tilespmem:v6+s2+$0x0], $0xffff  }
0x16d: {  	v10 =	vadd.s32 $0x80, v10;
	v7 =	vld.idx.msk [tilespmem:v7+s2+$0x0], $0xffff  }
0x16e: {  	v6 =	vadd.s32 $0x80, v8;
	v8 =	vadd.s32 $0x80, v9;
	v9 =	vld.idx.msk [tilespmem:v17+s22+$0x0], $0xffff  }
0x16f: {  	v17 =	vld.idx.msk [tilespmem:v18+s22+$0x0], $0xffff  }
0x170: {  	v11 =	vadd.s32 $0x80, v11;
	v18 =	vld.idx.msk [tilespmem:v19+s22+$0x0], $0xffff  }
0x171: {  	v12 =	vadd.s32 $0x80, v12;
	v19 =	vld.idx.msk [tilespmem:v20+s22+$0x0], $0xffff  }
0x172: {  	v63 =	vadd.s32 $0x80, v13;
	v10 =	vld.idx.msk [tilespmem:v10+s2+$0x0], $0xffff  }
0x173: {  	v14 =	vadd.s32 $0x80, v14;
	v22 =	vld.idx.msk [tilespmem:v6+s2+$0x0], $0xffff  }
0x174: {  	v24 =	vadd.s32 $0x80, v15;
	v23 =	vld.idx.msk [tilespmem:v8+s2+$0x0], $0xffff  }
0x175: {  	v25 =	vadd.s32 $0x80, v16;
	v13 =	vld.idx.msk [tilespmem:v11+s2+$0x0], $0xffff  }
0x176: {  	v6 =	vld.idx.msk [tilespmem:v12+s2+$0x0], $0xffff;
	v16 =	vadd.s32 $0x80, v9  }
0x177: {  	v8 =	vand.u32 $0xFFFF, v21;
	v11 =	vshll.u32 v7, $0x10;
	v7 =	vld.idx.msk [tilespmem:v63+s2+$0x0], $0xffff;
	v15 =	vadd.s32 $0x80, v17  }
0x178: {  	v11 =	vor.u32 v8, v11;
	v8 =	vld.idx.msk [tilespmem:v14+s2+$0x0], $0xffff;
	v14 =	vadd.s32 $0x80, v18  }
0x179: {  	s1 =	simm.s32 $0x6540;
	v5 =	vadd.s32 $0x80, v5;
	v9 =	vld.idx.msk [tilespmem:v24+s2+$0x0], $0xffff;
	v17 =	vand.u32 $0xFFFF, v22;
	v18 =	vshll.u32 v23, $0x10  }
0x17a: {  	s3 =	simm.s32 $0x100;
	s0 =	simm.s32 $0x0;
	v12 =	vadd.s32 $0x80, v19;
	v10 =	vand.u32 $0xFFFF, v10;
	[tilespmem:s1+$0x30] =	vst v11;
	v11 =	vld.idx.msk [tilespmem:v25+s2+$0x0], $0xffff;
	v17 =	vor.u32 v17, v18  }
.LBB2_10:
0x17b: {  	v18 =	vor.u32 s3, v0;
	v19 =	vor.u32 s3, v1;
	s4 =	sadd.s32 $0x20, s3;
	s5 =	sadd.s32 $0x40, s3;
	s7 =	sadd.s32 $0xE0, s3;
	[tilespmem:s1+$0xFFFFFFD0] =	vst v17;
	v13 =	vshll.u32 v13, $0x10;
	v16 =	vld.idx.msk [tilespmem:v16+s2+$0x0], $0xffff  }
0x17c: {  	s8 =	sadd.s32 $0x80, s3;
	s0 =	sadd.s32 $0x8, s0;
	v17 =	vor.u32 s4, v0;
	v20 =	vor.u32 s4, v2;
	s4 =	sadd.s32 $0x60, s3;
	v21 =	vor.u32 s7, v0;
	v15 =	vld.idx.msk [tilespmem:v15+s2+$0x0], $0xffff  }
0x17d: {  	s9 =	sadd.s32 $0xC0, s3;
	v22 =	vor.u32 s5, v0;
	v23 =	vor.u32 s5, v3;
	s5 =	sadd.s32 $0xA0, s3;
	v24 =	vor.u32 s7, v4;
	p0 =	slt.u32 s0, $0x188;
	v14 =	vld.idx.msk [tilespmem:v14+s2+$0x0], $0xffff  }
0x17e: {  	v27 =	vor.u32 s8, v0;
	v25 =	vor.u32 s4, v0;
	v26 =	vor.u32 s4, v4;
	v5 =	vld.idx.msk [tilespmem:v5+s2+$0x0], $0xffff  }
0x17f: {  	v28 =	vor.u32 s8, v1;
	v29 =	vor.u32 s5, v0;
	v30 =	vor.u32 s5, v2;
	v12 =	vld.idx.msk [tilespmem:v12+s2+$0x0], $0xffff  }
0x180: {  	v6 =	vand.u32 $0xFFFF, v6;
	v31 =	vor.u32 s9, v0;
	v32 =	vor.u32 s9, v3;
	v18 =	vld.idx.msk [tilespmem:v18+s22+$0x0], $0xffff  }
0x181: {  	v7 =	vshll.u32 v7, $0x10;
	v8 =	vand.u32 $0xFFFF, v8;
	v9 =	vshll.u32 v9, $0x10;
	v21 =	vld.idx.msk [tilespmem:v21+s22+$0x0], $0xffff  }
0x182: {  	v11 =	vand.u32 $0xFFFF, v11;
	v16 =	vshll.u32 v16, $0x10;
	v15 =	vand.u32 $0xFFFF, v15;
	v24 =	vld.idx.msk [tilespmem:v24+s22+$0x0], $0xffff  }
0x183: {  	v10 =	vor.u32 v10, v13;
	v6 =	vor.u32 v6, v7;
	v7 =	vshll.u32 v14, $0x10;
	v17 =	vld.idx.msk [tilespmem:v17+s22+$0x0], $0xffff  }
0x184: {  	v8 =	vor.u32 v8, v9;
	v9 =	vor.u32 v11, v16;
	v14 =	vand.u32 $0xFFFF, v5;
	v13 =	vld.idx.msk [tilespmem:v20+s22+$0x0], $0xffff;
	[tilespmem:s1+$0xFFFFFFE0] =	vst v10  }
0x185: {  	v11 =	vshll.u32 v12, $0x10;
	v10 =	vld.idx.msk [tilespmem:v22+s22+$0x0], $0xffff;
	[tilespmem:s1+$0xFFFFFFF0] =	vst v6;
	v6 =	vor.u32 v15, v7  }
0x186: {  	v5 =	vadd.s32 $0x80, v18;
	v11 =	vor.u32 v14, v11;
	v7 =	vld.idx.msk [tilespmem:v23+s22+$0x0], $0xffff;
	[tilespmem:s1+$0x0] =	vst v8  }
0x187: {  	v12 =	vadd.s32 $0x80, v21;
	v8 =	vld.idx.msk [tilespmem:v25+s22+$0x0], $0xffff;
	[tilespmem:s1+$0x10] =	vst v9  }
0x188: {  	v14 =	vadd.s32 $0x80, v24;
	v9 =	vld.idx.msk [tilespmem:v26+s22+$0x0], $0xffff;
	[tilespmem:s1+$0x20] =	vst v6  }
0x189: {  	v6 =	vadd.s32 $0x80, v17;
	v15 =	vld.idx.msk [tilespmem:v27+s22+$0x0], $0xffff;
	[tilespmem:s1+$0xFFFFFFC0] =	vst v11  }
0x18a: {  	v11 =	vadd.s32 $0x80, v13;
	v13 =	vld.idx.msk [tilespmem:v28+s22+$0x0], $0xffff  }
0x18b: {  	v10 =	vadd.s32 $0x80, v10;
	v16 =	vld.idx.msk [tilespmem:v29+s22+$0x0], $0xffff  }
0x18c: {  	v7 =	vadd.s32 $0x80, v7;
	v12 =	vld.idx.msk [tilespmem:v12+s2+$0x0], $0xffff  }
0x18d: {  	v8 =	vadd.s32 $0x80, v8;
	v14 =	vld.idx.msk [tilespmem:v14+s2+$0x0], $0xffff  }
0x18e: {  	v9 =	vadd.s32 $0x80, v9;
	v17 =	vld.idx.msk [tilespmem:v30+s22+$0x0], $0xffff  }
0x18f: {  	v18 =	vadd.s32 $0x80, v15;
	v15 =	vld.idx.msk [tilespmem:v31+s22+$0x0], $0xffff  }
0x190: {  	v20 =	vadd.s32 $0x80, v13;
	v21 =	vld.idx.msk [tilespmem:v32+s22+$0x0], $0xffff  }
0x191: {  	v22 =	vadd.s32 $0x80, v16;
	v19 =	vld.idx.msk [tilespmem:v19+s22+$0x0], $0xffff  }
0x192: {  	v23 =	vld.idx.msk [tilespmem:v6+s2+$0x0], $0xffff  }
0x193: {  	v6 =	vand.u32 $0xFFFF, v12;
	v12 =	vshll.u32 v14, $0x10;
	v11 =	vld.idx.msk [tilespmem:v11+s2+$0x0], $0xffff  }
0x194: {  	s1 =	sadd.s32 $0x80, s1;
	v16 =	vadd.s32 $0x80, v17;
	v6 =	vor.u32 v6, v12;
	v10 =	vld.idx.msk [tilespmem:v10+s2+$0x0], $0xffff  }
0x195: {  	v15 =	vadd.s32 $0x80, v15;
	v13 =	vld.idx.msk [tilespmem:v7+s2+$0x0], $0xffff;
	[tilespmem:s1+$0x30] =	vst v6  }
.Ltmp4:
0x196: {  	v14 =	vadd.s32 $0x80, v21;
	v6 =	vld.idx.msk [tilespmem:v8+s2+$0x0], $0xffff;
	(pc) =	sbr.rel @p0 .LBB2_10-.Ltmp4, $4  }
0x197: {  	v12 =	vadd.s32 $0x80, v19;
	v7 =	vld.idx.msk [tilespmem:v9+s2+$0x0], $0xffff  }
0x198: {  	v17 =	vand.u32 $0xFFFF, v23;
	v8 =	vld.idx.msk [tilespmem:v18+s2+$0x0], $0xffff  }
0x199: {  	v11 =	vshll.u32 v11, $0x10;
	v9 =	vld.idx.msk [tilespmem:v20+s2+$0x0], $0xffff  }
0x19a: {  	s3 =	sadd.s32 $0x100, s3;
	v17 =	vor.u32 v17, v11;
	v10 =	vand.u32 $0xFFFF, v10;
	v11 =	vld.idx.msk [tilespmem:v22+s2+$0x0], $0xffff  }
0x19b: {  	_ =	sdelay $0x3  }
0x19c: {  	v16 =	vld.idx.msk [tilespmem:v16+s2+$0x0], $0xffff  }
0x19d: {  	v15 =	vld.idx.msk [tilespmem:v15+s2+$0x0], $0xffff  }
0x19e: {  	v14 =	vld.idx.msk [tilespmem:v14+s2+$0x0], $0xffff  }
0x19f: {  	v5 =	vld.idx.msk [tilespmem:v5+s2+$0x0], $0xffff  }
0x1a0: {  	v13 =	vshll.u32 v13, $0x10;
	v12 =	vld.idx.msk [tilespmem:v12+s2+$0x0], $0xffff  }
0x1a1: {  	[tilespmem:s1+$0xFFFFFFD0] =	vst v17;
	v6 =	vand.u32 $0xFFFF, v6;
	v7 =	vshll.u32 v7, $0x10;
	v10 =	vor.u32 v10, v13  }
0x1a2: {  	v8 =	vand.u32 $0xFFFF, v8;
	v6 =	vor.u32 v6, v7;
	[tilespmem:s1+$0xFFFFFFE0] =	vst v10;
	v9 =	vshll.u32 v9, $0x10  }
0x1a3: {  	[tilespmem:s1+$0xFFFFFFF0] =	vst v6;
	v7 =	vand.u32 $0xFFFF, v11;
	v8 =	vor.u32 v8, v9;
	v10 =	vshll.u32 v16, $0x10  }
0x1a4: {  	v6 =	vand.u32 $0xFFFF, v15;
	v9 =	vshll.u32 v14, $0x10;
	[tilespmem:s1+$0x0] =	vst v8;
	v7 =	vor.u32 v7, v10  }
0x1a5: {  	v5 =	vand.u32 $0xFFFF, v5;
	v8 =	vshll.u32 v12, $0x10;
	v6 =	vor.u32 v6, v9;
	[tilespmem:s1+$0x10] =	vst v7  }
0x1a6: {  	v5 =	vor.u32 v5, v8;
	[tilespmem:s1+$0x20] =	vst v6  }
0x1a7: {  	s0 =	simm.s32 $0x0;
	[tilespmem:s1+$0xFFFFFFC0] =	vst v5  }
0x1a8: {  	[hbm4b:s14+s0] =	stream.linear.scatter [tilespmem:s25], [sflag:$0x3], $0x1900, $0x38;
	[tilespmem:$0x9700] =	vst v63  }
0x1a9: {  	_ = 	snop  }
0x1aa: {  	[tilespmem:s22], [sflag:$0x1] =	stream.linear.gather [hbm4b:s15+s0], $0x3200, $0x38;
	[tilespmem:$0x9700] =	vst v63  }
0x1ab: {  	_ =	swait.ge [sflag:s26], $0x3200  }
0x1ac: {  	s9 =	simm.s32 $0xE0;
	v5 =	vor.u32 s0, v0;
	[sflag:s26] =	ssyncset.done $0x0  }
0x1ad: {  	v6 =	vor.u32 s9, v0;
	[sflag:s26] =	ssyncadd.s32 $0xFFFFCE00  }
0x1ae: {  	s3 =	simm.s32 $0x20;
	v7 =	vor.u32 s9, v4;
	_ =	swait.ge [sflag:s30], $0x1900  }
0x1af: {  	v8 =	vor.u32 s3, v0;
	[sflag:s30] =	ssyncset.done $0x0  }
0x1b0: {  	s4 =	simm.s32 $0x40;
	v9 =	vor.u32 s3, v2;
	[sflag:s30] =	ssyncadd.s32 $0xFFFFE700  }
0x1b1: {  	v10 =	vor.u32 s4, v0;
	v5 =	vld.idx.msk [tilespmem:v5+s23+$0x0], $0xffff  }
0x1b2: {  	s5 =	simm.s32 $0x60;
	v11 =	vor.u32 s4, v3;
	v6 =	vld.idx.msk [tilespmem:v6+s23+$0x0], $0xffff  }
0x1b3: {  	v12 =	vor.u32 s5, v0;
	v7 =	vld.idx.msk [tilespmem:v7+s23+$0x0], $0xffff  }
0x1b4: {  	s7 =	simm.s32 $0x80;
	v13 =	vor.u32 s5, v4;
	v8 =	vld.idx.msk [tilespmem:v8+s23+$0x0], $0xffff  }
0x1b5: {  	v14 =	vor.u32 s7, v0;
	v9 =	vld.idx.msk [tilespmem:v9+s23+$0x0], $0xffff  }
0x1b6: {  	s8 =	simm.s32 $0xA0;
	v15 =	vor.u32 s7, v1;
	v10 =	vld.idx.msk [tilespmem:v10+s23+$0x0], $0xffff  }
0x1b7: {  	v16 =	vor.u32 s8, v0;
	v11 =	vld.idx.msk [tilespmem:v11+s23+$0x0], $0xffff  }
0x1b8: {  	v12 =	vld.idx.msk [tilespmem:v12+s23+$0x0], $0xffff;
	v6 =	vadd.s32 $0x80, v6  }
0x1b9: {  	v13 =	vld.idx.msk [tilespmem:v13+s23+$0x0], $0xffff;
	v7 =	vadd.s32 $0x80, v7  }
0x1ba: {  	v17 =	vor.u32 s8, v2;
	s9 =	simm.s32 $0xC0;
	v14 =	vld.idx.msk [tilespmem:v14+s23+$0x0], $0xffff  }
0x1bb: {  	v18 =	vor.u32 s9, v0;
	v15 =	vld.idx.msk [tilespmem:v15+s23+$0x0], $0xffff  }
0x1bc: {  	v19 =	vor.u32 s9, v3;
	v16 =	vld.idx.msk [tilespmem:v16+s23+$0x0], $0xffff  }
0x1bd: {  	v20 =	vor.u32 s0, v1;
	v21 =	vld.idx.msk [tilespmem:v6+s2+$0x0], $0xffff  }
0x1be: {  	v10 =	vadd.s32 $0x80, v10;
	v7 =	vld.idx.msk [tilespmem:v7+s2+$0x0], $0xffff  }
0x1bf: {  	v6 =	vadd.s32 $0x80, v8;
	v8 =	vadd.s32 $0x80, v9;
	v9 =	vld.idx.msk [tilespmem:v17+s23+$0x0], $0xffff  }
0x1c0: {  	v17 =	vld.idx.msk [tilespmem:v18+s23+$0x0], $0xffff  }
0x1c1: {  	v11 =	vadd.s32 $0x80, v11;
	v18 =	vld.idx.msk [tilespmem:v19+s23+$0x0], $0xffff  }
0x1c2: {  	v12 =	vadd.s32 $0x80, v12;
	v19 =	vld.idx.msk [tilespmem:v20+s23+$0x0], $0xffff  }
0x1c3: {  	v63 =	vadd.s32 $0x80, v13;
	v10 =	vld.idx.msk [tilespmem:v10+s2+$0x0], $0xffff  }
0x1c4: {  	v14 =	vadd.s32 $0x80, v14;
	v22 =	vld.idx.msk [tilespmem:v6+s2+$0x0], $0xffff  }
0x1c5: {  	v24 =	vadd.s32 $0x80, v15;
	v23 =	vld.idx.msk [tilespmem:v8+s2+$0x0], $0xffff  }
0x1c6: {  	v25 =	vadd.s32 $0x80, v16;
	v13 =	vld.idx.msk [tilespmem:v11+s2+$0x0], $0xffff  }
0x1c7: {  	v6 =	vld.idx.msk [tilespmem:v12+s2+$0x0], $0xffff;
	v16 =	vadd.s32 $0x80, v9  }
0x1c8: {  	v8 =	vand.u32 $0xFFFF, v21;
	v11 =	vshll.u32 v7, $0x10;
	v7 =	vld.idx.msk [tilespmem:v63+s2+$0x0], $0xffff;
	v15 =	vadd.s32 $0x80, v17  }
0x1c9: {  	v11 =	vor.u32 v8, v11;
	v8 =	vld.idx.msk [tilespmem:v14+s2+$0x0], $0xffff;
	v14 =	vadd.s32 $0x80, v18  }
0x1ca: {  	s1 =	simm.s32 $0x7E40;
	v5 =	vadd.s32 $0x80, v5;
	v9 =	vld.idx.msk [tilespmem:v24+s2+$0x0], $0xffff;
	v17 =	vand.u32 $0xFFFF, v22;
	v18 =	vshll.u32 v23, $0x10  }
0x1cb: {  	s3 =	simm.s32 $0x100;
	s0 =	simm.s32 $0x0;
	v12 =	vadd.s32 $0x80, v19;
	v10 =	vand.u32 $0xFFFF, v10;
	[tilespmem:s1+$0x30] =	vst v11;
	v11 =	vld.idx.msk [tilespmem:v25+s2+$0x0], $0xffff;
	v17 =	vor.u32 v17, v18  }
.LBB2_12:
0x1cc: {  	v18 =	vor.u32 s3, v0;
	v19 =	vor.u32 s3, v1;
	s4 =	sadd.s32 $0x20, s3;
	s5 =	sadd.s32 $0x40, s3;
	s7 =	sadd.s32 $0xE0, s3;
	[tilespmem:s1+$0xFFFFFFD0] =	vst v17;
	v13 =	vshll.u32 v13, $0x10;
	v16 =	vld.idx.msk [tilespmem:v16+s2+$0x0], $0xffff  }
0x1cd: {  	s8 =	sadd.s32 $0x80, s3;
	s0 =	sadd.s32 $0x8, s0;
	v17 =	vor.u32 s4, v0;
	v20 =	vor.u32 s4, v2;
	s4 =	sadd.s32 $0x60, s3;
	v21 =	vor.u32 s7, v0;
	v15 =	vld.idx.msk [tilespmem:v15+s2+$0x0], $0xffff  }
0x1ce: {  	s9 =	sadd.s32 $0xC0, s3;
	v22 =	vor.u32 s5, v0;
	v23 =	vor.u32 s5, v3;
	s5 =	sadd.s32 $0xA0, s3;
	v24 =	vor.u32 s7, v4;
	p0 =	slt.u32 s0, $0x188;
	v14 =	vld.idx.msk [tilespmem:v14+s2+$0x0], $0xffff  }
0x1cf: {  	v27 =	vor.u32 s8, v0;
	v25 =	vor.u32 s4, v0;
	v26 =	vor.u32 s4, v4;
	v5 =	vld.idx.msk [tilespmem:v5+s2+$0x0], $0xffff  }
0x1d0: {  	v28 =	vor.u32 s8, v1;
	v29 =	vor.u32 s5, v0;
	v30 =	vor.u32 s5, v2;
	v12 =	vld.idx.msk [tilespmem:v12+s2+$0x0], $0xffff  }
0x1d1: {  	v6 =	vand.u32 $0xFFFF, v6;
	v31 =	vor.u32 s9, v0;
	v32 =	vor.u32 s9, v3;
	v18 =	vld.idx.msk [tilespmem:v18+s23+$0x0], $0xffff  }
0x1d2: {  	v7 =	vshll.u32 v7, $0x10;
	v8 =	vand.u32 $0xFFFF, v8;
	v9 =	vshll.u32 v9, $0x10;
	v21 =	vld.idx.msk [tilespmem:v21+s23+$0x0], $0xffff  }
0x1d3: {  	v11 =	vand.u32 $0xFFFF, v11;
	v16 =	vshll.u32 v16, $0x10;
	v15 =	vand.u32 $0xFFFF, v15;
	v24 =	vld.idx.msk [tilespmem:v24+s23+$0x0], $0xffff  }
0x1d4: {  	v10 =	vor.u32 v10, v13;
	v6 =	vor.u32 v6, v7;
	v7 =	vshll.u32 v14, $0x10;
	v17 =	vld.idx.msk [tilespmem:v17+s23+$0x0], $0xffff  }
0x1d5: {  	v8 =	vor.u32 v8, v9;
	v9 =	vor.u32 v11, v16;
	v14 =	vand.u32 $0xFFFF, v5;
	v13 =	vld.idx.msk [tilespmem:v20+s23+$0x0], $0xffff;
	[tilespmem:s1+$0xFFFFFFE0] =	vst v10  }
0x1d6: {  	v11 =	vshll.u32 v12, $0x10;
	v10 =	vld.idx.msk [tilespmem:v22+s23+$0x0], $0xffff;
	[tilespmem:s1+$0xFFFFFFF0] =	vst v6;
	v6 =	vor.u32 v15, v7  }
0x1d7: {  	v5 =	vadd.s32 $0x80, v18;
	v11 =	vor.u32 v14, v11;
	v7 =	vld.idx.msk [tilespmem:v23+s23+$0x0], $0xffff;
	[tilespmem:s1+$0x0] =	vst v8  }
0x1d8: {  	v12 =	vadd.s32 $0x80, v21;
	v8 =	vld.idx.msk [tilespmem:v25+s23+$0x0], $0xffff;
	[tilespmem:s1+$0x10] =	vst v9  }
0x1d9: {  	v14 =	vadd.s32 $0x80, v24;
	v9 =	vld.idx.msk [tilespmem:v26+s23+$0x0], $0xffff;
	[tilespmem:s1+$0x20] =	vst v6  }
0x1da: {  	v6 =	vadd.s32 $0x80, v17;
	v15 =	vld.idx.msk [tilespmem:v27+s23+$0x0], $0xffff;
	[tilespmem:s1+$0xFFFFFFC0] =	vst v11  }
0x1db: {  	v11 =	vadd.s32 $0x80, v13;
	v13 =	vld.idx.msk [tilespmem:v28+s23+$0x0], $0xffff  }
0x1dc: {  	v10 =	vadd.s32 $0x80, v10;
	v16 =	vld.idx.msk [tilespmem:v29+s23+$0x0], $0xffff  }
0x1dd: {  	v7 =	vadd.s32 $0x80, v7;
	v12 =	vld.idx.msk [tilespmem:v12+s2+$0x0], $0xffff  }
0x1de: {  	v8 =	vadd.s32 $0x80, v8;
	v14 =	vld.idx.msk [tilespmem:v14+s2+$0x0], $0xffff  }
0x1df: {  	v9 =	vadd.s32 $0x80, v9;
	v17 =	vld.idx.msk [tilespmem:v30+s23+$0x0], $0xffff  }
0x1e0: {  	v18 =	vadd.s32 $0x80, v15;
	v15 =	vld.idx.msk [tilespmem:v31+s23+$0x0], $0xffff  }
0x1e1: {  	v20 =	vadd.s32 $0x80, v13;
	v21 =	vld.idx.msk [tilespmem:v32+s23+$0x0], $0xffff  }
0x1e2: {  	v22 =	vadd.s32 $0x80, v16;
	v19 =	vld.idx.msk [tilespmem:v19+s23+$0x0], $0xffff  }
0x1e3: {  	v23 =	vld.idx.msk [tilespmem:v6+s2+$0x0], $0xffff  }
0x1e4: {  	v6 =	vand.u32 $0xFFFF, v12;
	v12 =	vshll.u32 v14, $0x10;
	v11 =	vld.idx.msk [tilespmem:v11+s2+$0x0], $0xffff  }
0x1e5: {  	s1 =	sadd.s32 $0x80, s1;
	v16 =	vadd.s32 $0x80, v17;
	v6 =	vor.u32 v6, v12;
	v10 =	vld.idx.msk [tilespmem:v10+s2+$0x0], $0xffff  }
0x1e6: {  	v15 =	vadd.s32 $0x80, v15;
	v13 =	vld.idx.msk [tilespmem:v7+s2+$0x0], $0xffff;
	[tilespmem:s1+$0x30] =	vst v6  }
.Ltmp5:
0x1e7: {  	v14 =	vadd.s32 $0x80, v21;
	v6 =	vld.idx.msk [tilespmem:v8+s2+$0x0], $0xffff;
	(pc) =	sbr.rel @p0 .LBB2_12-.Ltmp5, $4  }
0x1e8: {  	v12 =	vadd.s32 $0x80, v19;
	v7 =	vld.idx.msk [tilespmem:v9+s2+$0x0], $0xffff  }
0x1e9: {  	v17 =	vand.u32 $0xFFFF, v23;
	v8 =	vld.idx.msk [tilespmem:v18+s2+$0x0], $0xffff  }
0x1ea: {  	v11 =	vshll.u32 v11, $0x10;
	v9 =	vld.idx.msk [tilespmem:v20+s2+$0x0], $0xffff  }
0x1eb: {  	s3 =	sadd.s32 $0x100, s3;
	v17 =	vor.u32 v17, v11;
	v10 =	vand.u32 $0xFFFF, v10;
	v11 =	vld.idx.msk [tilespmem:v22+s2+$0x0], $0xffff  }
0x1ec: {  	_ =	sdelay $0x3  }
0x1ed: {  	v16 =	vld.idx.msk [tilespmem:v16+s2+$0x0], $0xffff  }
0x1ee: {  	v15 =	vld.idx.msk [tilespmem:v15+s2+$0x0], $0xffff  }
0x1ef: {  	v14 =	vld.idx.msk [tilespmem:v14+s2+$0x0], $0xffff  }
0x1f0: {  	v5 =	vld.idx.msk [tilespmem:v5+s2+$0x0], $0xffff  }
0x1f1: {  	v13 =	vshll.u32 v13, $0x10;
	v12 =	vld.idx.msk [tilespmem:v12+s2+$0x0], $0xffff  }
0x1f2: {  	[tilespmem:s1+$0xFFFFFFD0] =	vst v17;
	v6 =	vand.u32 $0xFFFF, v6;
	v7 =	vshll.u32 v7, $0x10;
	v10 =	vor.u32 v10, v13  }
0x1f3: {  	v8 =	vand.u32 $0xFFFF, v8;
	v6 =	vor.u32 v6, v7;
	[tilespmem:s1+$0xFFFFFFE0] =	vst v10;
	v9 =	vshll.u32 v9, $0x10  }
0x1f4: {  	[tilespmem:s1+$0xFFFFFFF0] =	vst v6;
	v7 =	vand.u32 $0xFFFF, v11;
	v8 =	vor.u32 v8, v9;
	v10 =	vshll.u32 v16, $0x10  }
0x1f5: {  	v6 =	vand.u32 $0xFFFF, v15;
	v9 =	vshll.u32 v14, $0x10;
	[tilespmem:s1+$0x0] =	vst v8;
	v7 =	vor.u32 v7, v10  }
0x1f6: {  	v5 =	vand.u32 $0xFFFF, v5;
	v8 =	vshll.u32 v12, $0x10;
	v6 =	vor.u32 v6, v9;
	[tilespmem:s1+$0x10] =	vst v7  }
0x1f7: {  	v5 =	vor.u32 v5, v8;
	[tilespmem:s1+$0x20] =	vst v6  }
0x1f8: {  	s0 =	simm.s32 $0x0;
	[tilespmem:s1+$0xFFFFFFC0] =	vst v5  }
0x1f9: {  	[hbm4b:s16+s0] =	stream.linear.scatter [tilespmem:s28], [sflag:$0x4], $0x1900, $0x38;
	[tilespmem:$0x9700] =	vst v63  }
0x1fa: {  	_ = 	snop  }
0x1fb: {  	[tilespmem:s23], [sflag:$0x2] =	stream.linear.gather [hbm4b:s17+s0], $0x3200, $0x38;
	[tilespmem:$0x9700] =	vst v63  }
0x1fc: {  	_ =	swait.ge [sflag:s24], $0x3200  }
0x1fd: {  	s9 =	simm.s32 $0xE0;
	v5 =	vor.u32 s0, v0;
	[sflag:s24] =	ssyncset.done $0x0  }
0x1fe: {  	v6 =	vor.u32 s9, v0;
	[sflag:s24] =	ssyncadd.s32 $0xFFFFCE00  }
0x1ff: {  	s3 =	simm.s32 $0x20;
	v7 =	vor.u32 s9, v4;
	_ =	swait.ge [sflag:s29], $0x1900  }
0x200: {  	v8 =	vor.u32 s3, v0;
	[sflag:s29] =	ssyncset.done $0x0  }
0x201: {  	s4 =	simm.s32 $0x40;
	v9 =	vor.u32 s3, v2;
	[sflag:s29] =	ssyncadd.s32 $0xFFFFE700  }
0x202: {  	v10 =	vor.u32 s4, v0;
	v5 =	vld.idx.msk [tilespmem:v5+s22+$0x0], $0xffff  }
0x203: {  	s5 =	simm.s32 $0x60;
	v11 =	vor.u32 s4, v3;
	v6 =	vld.idx.msk [tilespmem:v6+s22+$0x0], $0xffff  }
0x204: {  	v12 =	vor.u32 s5, v0;
	v7 =	vld.idx.msk [tilespmem:v7+s22+$0x0], $0xffff  }
0x205: {  	s7 =	simm.s32 $0x80;
	v13 =	vor.u32 s5, v4;
	v8 =	vld.idx.msk [tilespmem:v8+s22+$0x0], $0xffff  }
0x206: {  	v14 =	vor.u32 s7, v0;
	v9 =	vld.idx.msk [tilespmem:v9+s22+$0x0], $0xffff  }
0x207: {  	s8 =	simm.s32 $0xA0;
	v15 =	vor.u32 s7, v1;
	v10 =	vld.idx.msk [tilespmem:v10+s22+$0x0], $0xffff  }
0x208: {  	v16 =	vor.u32 s8, v0;
	v11 =	vld.idx.msk [tilespmem:v11+s22+$0x0], $0xffff  }
0x209: {  	v12 =	vld.idx.msk [tilespmem:v12+s22+$0x0], $0xffff;
	v6 =	vadd.s32 $0x80, v6  }
0x20a: {  	v13 =	vld.idx.msk [tilespmem:v13+s22+$0x0], $0xffff;
	v7 =	vadd.s32 $0x80, v7  }
0x20b: {  	v17 =	vor.u32 s8, v2;
	s9 =	simm.s32 $0xC0;
	v14 =	vld.idx.msk [tilespmem:v14+s22+$0x0], $0xffff  }
0x20c: {  	v18 =	vor.u32 s9, v0;
	v15 =	vld.idx.msk [tilespmem:v15+s22+$0x0], $0xffff  }
0x20d: {  	v19 =	vor.u32 s9, v3;
	v16 =	vld.idx.msk [tilespmem:v16+s22+$0x0], $0xffff  }
0x20e: {  	v20 =	vor.u32 s0, v1;
	v21 =	vld.idx.msk [tilespmem:v6+s2+$0x0], $0xffff  }
0x20f: {  	v10 =	vadd.s32 $0x80, v10;
	v7 =	vld.idx.msk [tilespmem:v7+s2+$0x0], $0xffff  }
0x210: {  	v6 =	vadd.s32 $0x80, v8;
	v8 =	vadd.s32 $0x80, v9;
	v9 =	vld.idx.msk [tilespmem:v17+s22+$0x0], $0xffff  }
0x211: {  	v17 =	vld.idx.msk [tilespmem:v18+s22+$0x0], $0xffff  }
0x212: {  	v11 =	vadd.s32 $0x80, v11;
	v18 =	vld.idx.msk [tilespmem:v19+s22+$0x0], $0xffff  }
0x213: {  	v12 =	vadd.s32 $0x80, v12;
	v19 =	vld.idx.msk [tilespmem:v20+s22+$0x0], $0xffff  }
0x214: {  	v63 =	vadd.s32 $0x80, v13;
	v10 =	vld.idx.msk [tilespmem:v10+s2+$0x0], $0xffff  }
0x215: {  	v14 =	vadd.s32 $0x80, v14;
	v22 =	vld.idx.msk [tilespmem:v6+s2+$0x0], $0xffff  }
0x216: {  	v24 =	vadd.s32 $0x80, v15;
	v23 =	vld.idx.msk [tilespmem:v8+s2+$0x0], $0xffff  }
0x217: {  	v25 =	vadd.s32 $0x80, v16;
	v13 =	vld.idx.msk [tilespmem:v11+s2+$0x0], $0xffff  }
0x218: {  	v6 =	vld.idx.msk [tilespmem:v12+s2+$0x0], $0xffff;
	v16 =	vadd.s32 $0x80, v9  }
0x219: {  	v8 =	vand.u32 $0xFFFF, v21;
	v11 =	vshll.u32 v7, $0x10;
	v7 =	vld.idx.msk [tilespmem:v63+s2+$0x0], $0xffff;
	v15 =	vadd.s32 $0x80, v17  }
0x21a: {  	v11 =	vor.u32 v8, v11;
	v8 =	vld.idx.msk [tilespmem:v14+s2+$0x0], $0xffff;
	v14 =	vadd.s32 $0x80, v18  }
0x21b: {  	s1 =	simm.s32 $0x6540;
	v5 =	vadd.s32 $0x80, v5;
	v9 =	vld.idx.msk [tilespmem:v24+s2+$0x0], $0xffff;
	v17 =	vand.u32 $0xFFFF, v22;
	v18 =	vshll.u32 v23, $0x10  }
0x21c: {  	s3 =	simm.s32 $0x100;
	s0 =	simm.s32 $0x0;
	v12 =	vadd.s32 $0x80, v19;
	v10 =	vand.u32 $0xFFFF, v10;
	[tilespmem:s1+$0x30] =	vst v11;
	v11 =	vld.idx.msk [tilespmem:v25+s2+$0x0], $0xffff;
	v17 =	vor.u32 v17, v18  }
.LBB2_14:
0x21d: {  	v18 =	vor.u32 s3, v0;
	v19 =	vor.u32 s3, v1;
	s4 =	sadd.s32 $0x20, s3;
	s5 =	sadd.s32 $0x40, s3;
	s7 =	sadd.s32 $0xE0, s3;
	[tilespmem:s1+$0xFFFFFFD0] =	vst v17;
	v13 =	vshll.u32 v13, $0x10;
	v16 =	vld.idx.msk [tilespmem:v16+s2+$0x0], $0xffff  }
0x21e: {  	s8 =	sadd.s32 $0x80, s3;
	s0 =	sadd.s32 $0x8, s0;
	v17 =	vor.u32 s4, v0;
	v20 =	vor.u32 s4, v2;
	s4 =	sadd.s32 $0x60, s3;
	v21 =	vor.u32 s7, v0;
	v15 =	vld.idx.msk [tilespmem:v15+s2+$0x0], $0xffff  }
0x21f: {  	s9 =	sadd.s32 $0xC0, s3;
	v22 =	vor.u32 s5, v0;
	v23 =	vor.u32 s5, v3;
	s5 =	sadd.s32 $0xA0, s3;
	v24 =	vor.u32 s7, v4;
	p0 =	slt.u32 s0, $0x188;
	v14 =	vld.idx.msk [tilespmem:v14+s2+$0x0], $0xffff  }
0x220: {  	v27 =	vor.u32 s8, v0;
	v25 =	vor.u32 s4, v0;
	v26 =	vor.u32 s4, v4;
	v5 =	vld.idx.msk [tilespmem:v5+s2+$0x0], $0xffff  }
0x221: {  	v28 =	vor.u32 s8, v1;
	v29 =	vor.u32 s5, v0;
	v30 =	vor.u32 s5, v2;
	v12 =	vld.idx.msk [tilespmem:v12+s2+$0x0], $0xffff  }
0x222: {  	v6 =	vand.u32 $0xFFFF, v6;
	v31 =	vor.u32 s9, v0;
	v32 =	vor.u32 s9, v3;
	v18 =	vld.idx.msk [tilespmem:v18+s22+$0x0], $0xffff  }
0x223: {  	v7 =	vshll.u32 v7, $0x10;
	v8 =	vand.u32 $0xFFFF, v8;
	v9 =	vshll.u32 v9, $0x10;
	v21 =	vld.idx.msk [tilespmem:v21+s22+$0x0], $0xffff  }
0x224: {  	v11 =	vand.u32 $0xFFFF, v11;
	v16 =	vshll.u32 v16, $0x10;
	v15 =	vand.u32 $0xFFFF, v15;
	v24 =	vld.idx.msk [tilespmem:v24+s22+$0x0], $0xffff  }
0x225: {  	v10 =	vor.u32 v10, v13;
	v6 =	vor.u32 v6, v7;
	v7 =	vshll.u32 v14, $0x10;
	v17 =	vld.idx.msk [tilespmem:v17+s22+$0x0], $0xffff  }
0x226: {  	v8 =	vor.u32 v8, v9;
	v9 =	vor.u32 v11, v16;
	v14 =	vand.u32 $0xFFFF, v5;
	v13 =	vld.idx.msk [tilespmem:v20+s22+$0x0], $0xffff;
	[tilespmem:s1+$0xFFFFFFE0] =	vst v10  }
0x227: {  	v11 =	vshll.u32 v12, $0x10;
	v10 =	vld.idx.msk [tilespmem:v22+s22+$0x0], $0xffff;
	[tilespmem:s1+$0xFFFFFFF0] =	vst v6;
	v6 =	vor.u32 v15, v7  }
0x228: {  	v5 =	vadd.s32 $0x80, v18;
	v11 =	vor.u32 v14, v11;
	v7 =	vld.idx.msk [tilespmem:v23+s22+$0x0], $0xffff;
	[tilespmem:s1+$0x0] =	vst v8  }
0x229: {  	v12 =	vadd.s32 $0x80, v21;
	v8 =	vld.idx.msk [tilespmem:v25+s22+$0x0], $0xffff;
	[tilespmem:s1+$0x10] =	vst v9  }
0x22a: {  	v14 =	vadd.s32 $0x80, v24;
	v9 =	vld.idx.msk [tilespmem:v26+s22+$0x0], $0xffff;
	[tilespmem:s1+$0x20] =	vst v6  }
0x22b: {  	v6 =	vadd.s32 $0x80, v17;
	v15 =	vld.idx.msk [tilespmem:v27+s22+$0x0], $0xffff;
	[tilespmem:s1+$0xFFFFFFC0] =	vst v11  }
0x22c: {  	v11 =	vadd.s32 $0x80, v13;
	v13 =	vld.idx.msk [tilespmem:v28+s22+$0x0], $0xffff  }
0x22d: {  	v10 =	vadd.s32 $0x80, v10;
	v16 =	vld.idx.msk [tilespmem:v29+s22+$0x0], $0xffff  }
0x22e: {  	v7 =	vadd.s32 $0x80, v7;
	v12 =	vld.idx.msk [tilespmem:v12+s2+$0x0], $0xffff  }
0x22f: {  	v8 =	vadd.s32 $0x80, v8;
	v14 =	vld.idx.msk [tilespmem:v14+s2+$0x0], $0xffff  }
0x230: {  	v9 =	vadd.s32 $0x80, v9;
	v17 =	vld.idx.msk [tilespmem:v30+s22+$0x0], $0xffff  }
0x231: {  	v18 =	vadd.s32 $0x80, v15;
	v15 =	vld.idx.msk [tilespmem:v31+s22+$0x0], $0xffff  }
0x232: {  	v20 =	vadd.s32 $0x80, v13;
	v21 =	vld.idx.msk [tilespmem:v32+s22+$0x0], $0xffff  }
0x233: {  	v22 =	vadd.s32 $0x80, v16;
	v19 =	vld.idx.msk [tilespmem:v19+s22+$0x0], $0xffff  }
0x234: {  	v23 =	vld.idx.msk [tilespmem:v6+s2+$0x0], $0xffff  }
0x235: {  	v6 =	vand.u32 $0xFFFF, v12;
	v12 =	vshll.u32 v14, $0x10;
	v11 =	vld.idx.msk [tilespmem:v11+s2+$0x0], $0xffff  }
0x236: {  	s1 =	sadd.s32 $0x80, s1;
	v16 =	vadd.s32 $0x80, v17;
	v6 =	vor.u32 v6, v12;
	v10 =	vld.idx.msk [tilespmem:v10+s2+$0x0], $0xffff  }
0x237: {  	v15 =	vadd.s32 $0x80, v15;
	v13 =	vld.idx.msk [tilespmem:v7+s2+$0x0], $0xffff;
	[tilespmem:s1+$0x30] =	vst v6  }
.Ltmp6:
0x238: {  	v14 =	vadd.s32 $0x80, v21;
	v6 =	vld.idx.msk [tilespmem:v8+s2+$0x0], $0xffff;
	(pc) =	sbr.rel @p0 .LBB2_14-.Ltmp6, $4  }
0x239: {  	v12 =	vadd.s32 $0x80, v19;
	v7 =	vld.idx.msk [tilespmem:v9+s2+$0x0], $0xffff  }
0x23a: {  	v17 =	vand.u32 $0xFFFF, v23;
	v8 =	vld.idx.msk [tilespmem:v18+s2+$0x0], $0xffff  }
0x23b: {  	v11 =	vshll.u32 v11, $0x10;
	v9 =	vld.idx.msk [tilespmem:v20+s2+$0x0], $0xffff  }
0x23c: {  	s3 =	sadd.s32 $0x100, s3;
	v17 =	vor.u32 v17, v11;
	v10 =	vand.u32 $0xFFFF, v10;
	v11 =	vld.idx.msk [tilespmem:v22+s2+$0x0], $0xffff  }
0x23d: {  	_ =	sdelay $0x3  }
0x23e: {  	v16 =	vld.idx.msk [tilespmem:v16+s2+$0x0], $0xffff  }
0x23f: {  	v15 =	vld.idx.msk [tilespmem:v15+s2+$0x0], $0xffff  }
0x240: {  	v14 =	vld.idx.msk [tilespmem:v14+s2+$0x0], $0xffff  }
0x241: {  	v5 =	vld.idx.msk [tilespmem:v5+s2+$0x0], $0xffff  }
0x242: {  	v13 =	vshll.u32 v13, $0x10;
	v12 =	vld.idx.msk [tilespmem:v12+s2+$0x0], $0xffff  }
0x243: {  	[tilespmem:s1+$0xFFFFFFD0] =	vst v17;
	v6 =	vand.u32 $0xFFFF, v6;
	v7 =	vshll.u32 v7, $0x10;
	v10 =	vor.u32 v10, v13  }
0x244: {  	v8 =	vand.u32 $0xFFFF, v8;
	v6 =	vor.u32 v6, v7;
	[tilespmem:s1+$0xFFFFFFE0] =	vst v10;
	v9 =	vshll.u32 v9, $0x10  }
0x245: {  	[tilespmem:s1+$0xFFFFFFF0] =	vst v6;
	v7 =	vand.u32 $0xFFFF, v11;
	v8 =	vor.u32 v8, v9;
	v10 =	vshll.u32 v16, $0x10  }
0x246: {  	v6 =	vand.u32 $0xFFFF, v15;
	v9 =	vshll.u32 v14, $0x10;
	[tilespmem:s1+$0x0] =	vst v8;
	v7 =	vor.u32 v7, v10  }
0x247: {  	v5 =	vand.u32 $0xFFFF, v5;
	v8 =	vshll.u32 v12, $0x10;
	v6 =	vor.u32 v6, v9;
	[tilespmem:s1+$0x10] =	vst v7  }
0x248: {  	v5 =	vor.u32 v5, v8;
	[tilespmem:s1+$0x20] =	vst v6  }
0x249: {  	s0 =	simm.s32 $0x0;
	[tilespmem:s1+$0xFFFFFFC0] =	vst v5  }
0x24a: {  	[hbm4b:s18+s0] =	stream.linear.scatter [tilespmem:s25], [sflag:$0x3], $0x1900, $0x38;
	[tilespmem:$0x9700] =	vst v63  }
0x24b: {  	_ =	swait.ge [sflag:s26], $0x3200  }
0x24c: {  	s9 =	simm.s32 $0xE0;
	v5 =	vor.u32 s0, v0;
	[sflag:s26] =	ssyncset.done $0x0  }
0x24d: {  	v6 =	vor.u32 s9, v0;
	[sflag:s26] =	ssyncadd.s32 $0xFFFFCE00  }
0x24e: {  	s3 =	simm.s32 $0x20;
	v7 =	vor.u32 s9, v4;
	_ =	swait.ge [sflag:s30], $0x1900  }
0x24f: {  	v8 =	vor.u32 s3, v0;
	[sflag:s30] =	ssyncset.done $0x0  }
0x250: {  	s4 =	simm.s32 $0x40;
	v9 =	vor.u32 s3, v2;
	[sflag:s30] =	ssyncadd.s32 $0xFFFFE700  }
0x251: {  	v10 =	vor.u32 s4, v0;
	v5 =	vld.idx.msk [tilespmem:v5+s23+$0x0], $0xffff  }
0x252: {  	s5 =	simm.s32 $0x60;
	v11 =	vor.u32 s4, v3;
	v6 =	vld.idx.msk [tilespmem:v6+s23+$0x0], $0xffff  }
0x253: {  	v12 =	vor.u32 s5, v0;
	v7 =	vld.idx.msk [tilespmem:v7+s23+$0x0], $0xffff  }
0x254: {  	s7 =	simm.s32 $0x80;
	v13 =	vor.u32 s5, v4;
	v8 =	vld.idx.msk [tilespmem:v8+s23+$0x0], $0xffff  }
0x255: {  	v14 =	vor.u32 s7, v0;
	v9 =	vld.idx.msk [tilespmem:v9+s23+$0x0], $0xffff  }
0x256: {  	s8 =	simm.s32 $0xA0;
	v15 =	vor.u32 s7, v1;
	v10 =	vld.idx.msk [tilespmem:v10+s23+$0x0], $0xffff  }
0x257: {  	v16 =	vor.u32 s8, v0;
	v11 =	vld.idx.msk [tilespmem:v11+s23+$0x0], $0xffff  }
0x258: {  	v12 =	vld.idx.msk [tilespmem:v12+s23+$0x0], $0xffff;
	v6 =	vadd.s32 $0x80, v6  }
0x259: {  	v13 =	vld.idx.msk [tilespmem:v13+s23+$0x0], $0xffff;
	v7 =	vadd.s32 $0x80, v7  }
0x25a: {  	v17 =	vor.u32 s8, v2;
	s9 =	simm.s32 $0xC0;
	v14 =	vld.idx.msk [tilespmem:v14+s23+$0x0], $0xffff  }
0x25b: {  	v18 =	vor.u32 s9, v0;
	v15 =	vld.idx.msk [tilespmem:v15+s23+$0x0], $0xffff  }
0x25c: {  	v19 =	vor.u32 s9, v3;
	v16 =	vld.idx.msk [tilespmem:v16+s23+$0x0], $0xffff  }
0x25d: {  	v20 =	vor.u32 s0, v1;
	v21 =	vld.idx.msk [tilespmem:v6+s2+$0x0], $0xffff  }
0x25e: {  	v10 =	vadd.s32 $0x80, v10;
	v7 =	vld.idx.msk [tilespmem:v7+s2+$0x0], $0xffff  }
0x25f: {  	v6 =	vadd.s32 $0x80, v8;
	v8 =	vadd.s32 $0x80, v9;
	v9 =	vld.idx.msk [tilespmem:v17+s23+$0x0], $0xffff  }
0x260: {  	v17 =	vld.idx.msk [tilespmem:v18+s23+$0x0], $0xffff  }
0x261: {  	v11 =	vadd.s32 $0x80, v11;
	v18 =	vld.idx.msk [tilespmem:v19+s23+$0x0], $0xffff  }
0x262: {  	v12 =	vadd.s32 $0x80, v12;
	v19 =	vld.idx.msk [tilespmem:v20+s23+$0x0], $0xffff  }
0x263: {  	v63 =	vadd.s32 $0x80, v13;
	v10 =	vld.idx.msk [tilespmem:v10+s2+$0x0], $0xffff  }
0x264: {  	v14 =	vadd.s32 $0x80, v14;
	v22 =	vld.idx.msk [tilespmem:v6+s2+$0x0], $0xffff  }
0x265: {  	v24 =	vadd.s32 $0x80, v15;
	v23 =	vld.idx.msk [tilespmem:v8+s2+$0x0], $0xffff  }
0x266: {  	v25 =	vadd.s32 $0x80, v16;
	v13 =	vld.idx.msk [tilespmem:v11+s2+$0x0], $0xffff  }
0x267: {  	v6 =	vld.idx.msk [tilespmem:v12+s2+$0x0], $0xffff;
	v16 =	vadd.s32 $0x80, v9  }
0x268: {  	v8 =	vand.u32 $0xFFFF, v21;
	v11 =	vshll.u32 v7, $0x10;
	v7 =	vld.idx.msk [tilespmem:v63+s2+$0x0], $0xffff;
	v15 =	vadd.s32 $0x80, v17  }
0x269: {  	v11 =	vor.u32 v8, v11;
	v8 =	vld.idx.msk [tilespmem:v14+s2+$0x0], $0xffff;
	v14 =	vadd.s32 $0x80, v18  }
0x26a: {  	s1 =	simm.s32 $0x7E40;
	v5 =	vadd.s32 $0x80, v5;
	v9 =	vld.idx.msk [tilespmem:v24+s2+$0x0], $0xffff;
	v17 =	vand.u32 $0xFFFF, v22;
	v18 =	vshll.u32 v23, $0x10  }
0x26b: {  	s3 =	simm.s32 $0x100;
	s0 =	simm.s32 $0x0;
	v12 =	vadd.s32 $0x80, v19;
	v10 =	vand.u32 $0xFFFF, v10;
	[tilespmem:s1+$0x30] =	vst v11;
	v11 =	vld.idx.msk [tilespmem:v25+s2+$0x0], $0xffff;
	v17 =	vor.u32 v17, v18  }
.LBB2_16:
0x26c: {  	v18 =	vor.u32 s3, v0;
	v19 =	vor.u32 s3, v1;
	s4 =	sadd.s32 $0x20, s3;
	s5 =	sadd.s32 $0x40, s3;
	s7 =	sadd.s32 $0xE0, s3;
	[tilespmem:s1+$0xFFFFFFD0] =	vst v17;
	v13 =	vshll.u32 v13, $0x10;
	v16 =	vld.idx.msk [tilespmem:v16+s2+$0x0], $0xffff  }
0x26d: {  	s8 =	sadd.s32 $0x80, s3;
	s0 =	sadd.s32 $0x8, s0;
	v17 =	vor.u32 s4, v0;
	v20 =	vor.u32 s4, v2;
	s4 =	sadd.s32 $0x60, s3;
	v21 =	vor.u32 s7, v0;
	v15 =	vld.idx.msk [tilespmem:v15+s2+$0x0], $0xffff  }
0x26e: {  	s9 =	sadd.s32 $0xC0, s3;
	v22 =	vor.u32 s5, v0;
	v23 =	vor.u32 s5, v3;
	s5 =	sadd.s32 $0xA0, s3;
	v24 =	vor.u32 s7, v4;
	p0 =	slt.u32 s0, $0x188;
	v14 =	vld.idx.msk [tilespmem:v14+s2+$0x0], $0xffff  }
0x26f: {  	v27 =	vor.u32 s8, v0;
	v25 =	vor.u32 s4, v0;
	v26 =	vor.u32 s4, v4;
	v5 =	vld.idx.msk [tilespmem:v5+s2+$0x0], $0xffff  }
0x270: {  	v28 =	vor.u32 s8, v1;
	v29 =	vor.u32 s5, v0;
	v30 =	vor.u32 s5, v2;
	v12 =	vld.idx.msk [tilespmem:v12+s2+$0x0], $0xffff  }
0x271: {  	v6 =	vand.u32 $0xFFFF, v6;
	v31 =	vor.u32 s9, v0;
	v32 =	vor.u32 s9, v3;
	v18 =	vld.idx.msk [tilespmem:v18+s23+$0x0], $0xffff  }
0x272: {  	v7 =	vshll.u32 v7, $0x10;
	v8 =	vand.u32 $0xFFFF, v8;
	v9 =	vshll.u32 v9, $0x10;
	v21 =	vld.idx.msk [tilespmem:v21+s23+$0x0], $0xffff  }
0x273: {  	v11 =	vand.u32 $0xFFFF, v11;
	v16 =	vshll.u32 v16, $0x10;
	v15 =	vand.u32 $0xFFFF, v15;
	v24 =	vld.idx.msk [tilespmem:v24+s23+$0x0], $0xffff  }
0x274: {  	v10 =	vor.u32 v10, v13;
	v6 =	vor.u32 v6, v7;
	v7 =	vshll.u32 v14, $0x10;
	v17 =	vld.idx.msk [tilespmem:v17+s23+$0x0], $0xffff  }
0x275: {  	v8 =	vor.u32 v8, v9;
	v9 =	vor.u32 v11, v16;
	v14 =	vand.u32 $0xFFFF, v5;
	v13 =	vld.idx.msk [tilespmem:v20+s23+$0x0], $0xffff;
	[tilespmem:s1+$0xFFFFFFE0] =	vst v10  }
0x276: {  	v11 =	vshll.u32 v12, $0x10;
	v10 =	vld.idx.msk [tilespmem:v22+s23+$0x0], $0xffff;
	[tilespmem:s1+$0xFFFFFFF0] =	vst v6;
	v6 =	vor.u32 v15, v7  }
0x277: {  	v5 =	vadd.s32 $0x80, v18;
	v11 =	vor.u32 v14, v11;
	v7 =	vld.idx.msk [tilespmem:v23+s23+$0x0], $0xffff;
	[tilespmem:s1+$0x0] =	vst v8  }
0x278: {  	v12 =	vadd.s32 $0x80, v21;
	v8 =	vld.idx.msk [tilespmem:v25+s23+$0x0], $0xffff;
	[tilespmem:s1+$0x10] =	vst v9  }
0x279: {  	v14 =	vadd.s32 $0x80, v24;
	v9 =	vld.idx.msk [tilespmem:v26+s23+$0x0], $0xffff;
	[tilespmem:s1+$0x20] =	vst v6  }
0x27a: {  	v6 =	vadd.s32 $0x80, v17;
	v15 =	vld.idx.msk [tilespmem:v27+s23+$0x0], $0xffff;
	[tilespmem:s1+$0xFFFFFFC0] =	vst v11  }
0x27b: {  	v11 =	vadd.s32 $0x80, v13;
	v13 =	vld.idx.msk [tilespmem:v28+s23+$0x0], $0xffff  }
0x27c: {  	v10 =	vadd.s32 $0x80, v10;
	v16 =	vld.idx.msk [tilespmem:v29+s23+$0x0], $0xffff  }
0x27d: {  	v7 =	vadd.s32 $0x80, v7;
	v12 =	vld.idx.msk [tilespmem:v12+s2+$0x0], $0xffff  }
0x27e: {  	v8 =	vadd.s32 $0x80, v8;
	v14 =	vld.idx.msk [tilespmem:v14+s2+$0x0], $0xffff  }
0x27f: {  	v9 =	vadd.s32 $0x80, v9;
	v17 =	vld.idx.msk [tilespmem:v30+s23+$0x0], $0xffff  }
0x280: {  	v18 =	vadd.s32 $0x80, v15;
	v15 =	vld.idx.msk [tilespmem:v31+s23+$0x0], $0xffff  }
0x281: {  	v20 =	vadd.s32 $0x80, v13;
	v21 =	vld.idx.msk [tilespmem:v32+s23+$0x0], $0xffff  }
0x282: {  	v22 =	vadd.s32 $0x80, v16;
	v19 =	vld.idx.msk [tilespmem:v19+s23+$0x0], $0xffff  }
0x283: {  	v23 =	vld.idx.msk [tilespmem:v6+s2+$0x0], $0xffff  }
0x284: {  	v6 =	vand.u32 $0xFFFF, v12;
	v12 =	vshll.u32 v14, $0x10;
	v11 =	vld.idx.msk [tilespmem:v11+s2+$0x0], $0xffff  }
0x285: {  	s1 =	sadd.s32 $0x80, s1;
	v16 =	vadd.s32 $0x80, v17;
	v6 =	vor.u32 v6, v12;
	v10 =	vld.idx.msk [tilespmem:v10+s2+$0x0], $0xffff  }
0x286: {  	v15 =	vadd.s32 $0x80, v15;
	v13 =	vld.idx.msk [tilespmem:v7+s2+$0x0], $0xffff;
	[tilespmem:s1+$0x30] =	vst v6  }
.Ltmp7:
0x287: {  	v14 =	vadd.s32 $0x80, v21;
	v6 =	vld.idx.msk [tilespmem:v8+s2+$0x0], $0xffff;
	(pc) =	sbr.rel @p0 .LBB2_16-.Ltmp7, $4  }
0x288: {  	v12 =	vadd.s32 $0x80, v19;
	v7 =	vld.idx.msk [tilespmem:v9+s2+$0x0], $0xffff  }
0x289: {  	v17 =	vand.u32 $0xFFFF, v23;
	v8 =	vld.idx.msk [tilespmem:v18+s2+$0x0], $0xffff  }
0x28a: {  	v11 =	vshll.u32 v11, $0x10;
	v9 =	vld.idx.msk [tilespmem:v20+s2+$0x0], $0xffff  }
0x28b: {  	s3 =	sadd.s32 $0x100, s3;
	v17 =	vor.u32 v17, v11;
	v10 =	vand.u32 $0xFFFF, v10;
	v11 =	vld.idx.msk [tilespmem:v22+s2+$0x0], $0xffff  }
0x28c: {  	_ =	sdelay $0x3  }
0x28d: {  	v16 =	vld.idx.msk [tilespmem:v16+s2+$0x0], $0xffff  }
0x28e: {  	v15 =	vld.idx.msk [tilespmem:v15+s2+$0x0], $0xffff  }
0x28f: {  	v14 =	vld.idx.msk [tilespmem:v14+s2+$0x0], $0xffff  }
0x290: {  	v5 =	vld.idx.msk [tilespmem:v5+s2+$0x0], $0xffff  }
0x291: {  	v13 =	vshll.u32 v13, $0x10;
	v12 =	vld.idx.msk [tilespmem:v12+s2+$0x0], $0xffff  }
0x292: {  	[tilespmem:s1+$0xFFFFFFD0] =	vst v17;
	v6 =	vand.u32 $0xFFFF, v6;
	v7 =	vshll.u32 v7, $0x10;
	v10 =	vor.u32 v10, v13  }
0x293: {  	v8 =	vand.u32 $0xFFFF, v8;
	v6 =	vor.u32 v6, v7;
	[tilespmem:s1+$0xFFFFFFE0] =	vst v10;
	v9 =	vshll.u32 v9, $0x10  }
0x294: {  	[tilespmem:s1+$0xFFFFFFF0] =	vst v6;
	v7 =	vand.u32 $0xFFFF, v11;
	v8 =	vor.u32 v8, v9;
	v61 =	vshll.u32 v16, $0x10  }
0x295: {  	v6 =	vand.u32 $0xFFFF, v15;
	v62 =	vshll.u32 v14, $0x10;
	[tilespmem:s1+$0x0] =	vst v8;
	v7 =	vor.u32 v7, v61  }
0x296: {  	v5 =	vand.u32 $0xFFFF, v5;
	v63 =	vshll.u32 v12, $0x10;
	v6 =	vor.u32 v6, v62;
	[tilespmem:s1+$0x10] =	vst v7  }
0x297: {  	v5 =	vor.u32 v5, v63;
	[tilespmem:s1+$0x20] =	vst v6  }
0x298: {  	s31 =	sadd.s32 $0x1, s31;
	[tilespmem:s1+$0xFFFFFFC0] =	vst v5  }
0x299: {  	[hbm4b:s19+s2] =	stream.linear.scatter [tilespmem:s28], [sflag:$0x4], $0x1900, $0x38;
	[tilespmem:$0x9700] =	vst v63  }
0x29a: {  	p0 =	sne.s32 s31, s20;
	_ =	swait.ge [sflag:s29], $0x1900  }
.Ltmp8:
0x29b: {  	[sflag:s29] =	ssyncset.done $0x0;
	(pc) =	sbr.rel @p0 .LBB2_1-.Ltmp8, $4  }
0x29c: {  	[sflag:s29] =	ssyncadd.s32 $0xFFFFE700  }
0x29d: {  	_ =	swait.ge [sflag:s30], $0x1900  }
0x29e: {  	[sflag:s30] =	ssyncset.done $0x0  }
0x29f: {  	[sflag:s30] =	ssyncadd.s32 $0xFFFFE700  }
0x2a0: {  	_ =	sfence.sel $0x180000  }
0x2a1: {  	[bflag:$0x0] =	sbarrier.arrive $0xFFFF  }
0x2a2: {  	_ =	strace $0x90000047  }
0x2a3: {  	s0 =	stileid.u32;
	[bflag:$0x2] =	sbarrier.arrive $0xFFFF  }
0x2a4: {  	p0 =	sne.s32 s0, $0x0;
	s0 =	rddreg [dreg:$0x2]  }
0x2a5: {  	s0 =	sadd.s32 @!p0 $0x100000, s0  }
0x2a6: {  	[sflag:s0] =	ssyncadd.tile.s32 @!p0 $0x1;
	_ =	shalt  }
.Lfunc_end2:
_tile_overlayer_lowered:
.L_overlay_start_2:
0x2a7: {  	(tag) =	ssettag $0x2  }
0x2a8: {  	s0 =	rddreg [dreg:$0x0];
	s2 =	stileid.u32  }
0x2a9: {  	s1 =	rddreg [dreg:$0x1];
	p0 =	sne.s32 s2, $0x0  }
0x2aa: {  	s3 =	rddreg [dreg:$0x2];
	[bflag:$0x3] =	sbarrier.arrive $0xFFFF;
	s2 =	simm.s32 @!p0 $0x1C05  }
0x2ab: {  	[timem:s3], [sflag:s2] =	dma.local @!p0 [hbm:s0], s1  }
0x2ac: {  	s0 =	simm.s32 @!p0 $0x5  }
0x2ad: {  	_ =	swait.ge @!p0 [sflag:s0], s1  }
0x2ae: {  	s1 =	ssub.s32 @!p0 $0x0, s1;
	[sflag:s0] =	ssyncset.done @!p0 $0x0  }
0x2af: {  	[sflag:s0] =	ssyncadd.s32 @!p0 s1  }
0x2b0: {  	[bflag:$0x3] =	sbarrier.arrive $0xFFFF  }
0x2b1: {  	_ =	shalt  }

</sc_bundles>
